<compile_context>
chip_gen: v7x
topology: tpu7x:2x2x1
jax: 0.10.2.dev20260603
libtpu: 0.0.44.dev20260713+nightly
codegen_flags: <defaults>
</compile_context>

<pallas_src>
import functools

import jax
import jax.numpy as jnp
from jax import lax
from jax.experimental import pallas as pl
from jax.experimental.pallas import tpu as pltpu
from jax.experimental.pallas import tpu_sc as plsc

EMBED_D = 128
TABLE_ROWS = 20
N_ROWS = 100000
NUM_CORES = 2
NUM_SUBCORES = 16
NUM_WORKERS = NUM_CORES * NUM_SUBCORES
CHUNK = 400
NUM_CHUNKS = N_ROWS // CHUNK
MAX_ITERS = -(-NUM_CHUNKS // NUM_WORKERS)

_mesh = plsc.VectorSubcoreMesh(
    core_axis_name="c", subcore_axis_name="s",
    num_cores=NUM_CORES, num_subcores=NUM_SUBCORES)


@functools.partial(
    pl.kernel,
    mesh=_mesh,
    out_type=jax.ShapeDtypeStruct((N_ROWS, EMBED_D), jnp.float32),
    scratch_types=(
        [pltpu.VMEM_SHARED((TABLE_ROWS, EMBED_D), jnp.float32),
         pltpu.VMEM((2, CHUNK, EMBED_D), jnp.float32)]
        + [pltpu.VMEM((CHUNK,), jnp.int32) for _ in range(MAX_ITERS)]
        + [pltpu.SemaphoreType.DMA,
           pltpu.SemaphoreType.DMA,
           pltpu.SemaphoreType.DMA,
           pltpu.SemaphoreType.DMA]
    ),
)
def _embed_sc(idx_hbm, table_hbm, out_hbm, *scratch):
    table_v, rows_v = scratch[0], scratch[1]
    idx_v = scratch[2:2 + MAX_ITERS]
    sem_g, sem_s0, sem_s1, sem_i = scratch[2 + MAX_ITERS:]
    sem_s = (sem_s0, sem_s1)
    wid = lax.axis_index("s") * NUM_CORES + lax.axis_index("c")

    def chunk_id(k):
        return wid + k * NUM_WORKERS

    def out_slice(k):
        return out_hbm.at[pl.ds(chunk_id(k) * CHUNK, CHUNK)]

    @pl.when(lax.axis_index("s") == 0)
    def _():
        pltpu.sync_copy(table_hbm, table_v)

    plsc.subcore_barrier()

    for k in range(MAX_ITERS):

        @pl.when(chunk_id(k) < NUM_CHUNKS)
        def _():
            pltpu.async_copy(idx_hbm.at[pl.ds(chunk_id(k) * CHUNK, CHUNK)],
                             idx_v[k], sem_i)

    for k in range(MAX_ITERS):

        @pl.when(chunk_id(k) < NUM_CHUNKS)
        def _():
            pltpu.make_async_copy(
                idx_hbm.at[pl.ds(chunk_id(k) * CHUNK, CHUNK)],
                idx_v[k], sem_i).wait()

    for k in range(MAX_ITERS):
        buf = k % 2

        @pl.when(chunk_id(k) < NUM_CHUNKS)
        def _():
            if k >= 2:
                pltpu.make_async_copy(rows_v.at[buf], out_slice(k - 2),
                                      sem_s[buf]).wait()
            pltpu.async_copy(table_v.at[idx_v[k]], rows_v.at[buf],
                             sem_g).wait()
            pltpu.async_copy(rows_v.at[buf], out_slice(k), sem_s[buf])

    for k in range(max(MAX_ITERS - 2, 0), MAX_ITERS):
        buf = k % 2

        @pl.when(chunk_id(k) < NUM_CHUNKS)
        def _():
            pltpu.make_async_copy(rows_v.at[buf], out_slice(k),
                                  sem_s[buf]).wait()


def kernel(atom_type_index, embedding_table):
    idx = atom_type_index.astype(jnp.int32)
    return _embed_sc(idx, embedding_table)

# --- scband reference (transcript-rebuilt; emitter-appended) ---
"""Pipeline reference for scband-simple-atom-embedding-22814866276366 (READ-ONLY COPY).

The authoritative reference and input builder live on the scoring server;
editing this copy changes nothing except your own understanding.
"""

import jax, jax.numpy as jnp
import numpy as np

EMBEDDING_DIM = 128
MAX_VALUE = 20
N_ATOMS = 100000

def setup_inputs(seed: int = 0) -> dict:
    key = jax.random.key(seed)
    k_idx, k_tab = jax.random.split(key)
    atom_type_index = jax.random.randint(k_idx, (N_ATOMS,), 0, MAX_VALUE, dtype=jnp.int64 if jax.config.jax_enable_x64 else jnp.int32)
    embedding_table = jax.random.normal(k_tab, (MAX_VALUE, EMBEDDING_DIM), dtype=jnp.float32)
    return {"atom_type_index": atom_type_index, "embedding_table": embedding_table}

def reference(atom_type_index, embedding_table):
    # nn.Embedding forward: row gather from the table
    return jnp.take(embedding_table, atom_type_index, axis=0)

if __name__ == "__main__":
    import jax
    _d = setup_inputs()
    print(jax.jit(kernel)(*tuple(_d.values())))

</pallas_src>

<mosaic_0001>
#map = affine_map<(d0, d1) -> (0)>
#map1 = affine_map<(d0, d1) -> (0, 0)>
module attributes {stable_mosaic.version = 14 : i64} {
  func.func @_embed_sc(%arg0: i32, %arg1: i32, %arg2: memref<100000xi32, #tpu.memory_space<hbm>>, %arg3: memref<20x128xf32, #tpu.memory_space<hbm>>, %arg4: memref<100000x128xf32, #tpu.memory_space<hbm>>, %arg5: memref<20x128xf32, #tpu.memory_space<vmem_shared>>, %arg6: memref<2x400x128xf32, #tpu.memory_space<vmem>>, %arg7: memref<400xi32, #tpu.memory_space<vmem>>, %arg8: memref<400xi32, #tpu.memory_space<vmem>>, %arg9: memref<400xi32, #tpu.memory_space<vmem>>, %arg10: memref<400xi32, #tpu.memory_space<vmem>>, %arg11: memref<400xi32, #tpu.memory_space<vmem>>, %arg12: memref<400xi32, #tpu.memory_space<vmem>>, %arg13: memref<400xi32, #tpu.memory_space<vmem>>, %arg14: memref<400xi32, #tpu.memory_space<vmem>>, %arg15: memref<!tpu.dma_semaphore, #tpu.memory_space<semaphore_mem>>, %arg16: memref<!tpu.dma_semaphore, #tpu.memory_space<semaphore_mem>>, %arg17: memref<!tpu.dma_semaphore, #tpu.memory_space<semaphore_mem>>, %arg18: memref<!tpu.dma_semaphore, #tpu.memory_space<semaphore_mem>>) attributes {dimension_semantics = [#tpu.dimension_semantics<core_parallel>, #tpu.dimension_semantics<subcore_parallel>], iteration_bounds = array<i64: 2, 16>, scalar_prefetch = 0 : i64, scratch_operands = 14 : i64, tpu.core_type = #tpu.core_type<sc_vector_subcore>, window_params = [{transform_indices = #map}, {transform_indices = #map1}, {transform_indices = #map1}]} {
    %mul3A = arith.constant 2 : i32
    %mul3A_0 = arith.muli %arg1, %mul3A : i32
    %add3A = arith.addi %mul3A_0, %arg0 : i32
    %eq3A = arith.constant 0 : i32
    %eq3A_1 = arith.cmpi eq, %arg1, %eq3A : i32
    %convert_element_type3A = arith.extui %eq3A_1 : i1 to i32
    %cond3A = arith.constant 0 : i32
    %cond3A_2 = arith.cmpi ne, %convert_element_type3A, %cond3A : i32
    scf.if %cond3A_2 {
      "tpu.region"() ({
        %run_scoped3A = tpu.sem_alloc : memref<!tpu.dma_semaphore, #tpu.memory_space<semaphore_mem>>
        tpu.enqueue_dma source(%arg3 : memref<20x128xf32, #tpu.memory_space<hbm>>) target(%arg5 : memref<20x128xf32, #tpu.memory_space<vmem_shared>>) target_semaphore(%run_scoped3A : memref<!tpu.dma_semaphore, #tpu.memory_space<semaphore_mem>>)
        tpu.wait_dma2 semaphore(%run_scoped3A : memref<!tpu.dma_semaphore, #tpu.memory_space<semaphore_mem>>) src(%arg3 : memref<20x128xf32, #tpu.memory_space<hbm>>) dst(%arg5 : memref<20x128xf32, #tpu.memory_space<vmem_shared>>)
        tpu.yield
      }) : () -> ()
    } else {
    }
    %barrier3A = arith.constant 0 : index
    tpu.barrier barrier_id(%barrier3A)
    %add3A_3 = arith.constant 0 : i32
    %add3A_4 = arith.addi %add3A, %add3A_3 : i32
    %lt3A = arith.constant 250 : i32
    %lt3A_5 = arith.cmpi slt, %add3A_4, %lt3A : i32
    %convert_element_type3A_6 = arith.extui %lt3A_5 : i1 to i32
    %cond3A_7 = arith.constant 0 : i32
    %cond3A_8 = arith.cmpi ne, %convert_element_type3A_6, %cond3A_7 : i32
    scf.if %cond3A_8 {
      %add3A_184 = arith.constant 0 : i32
      %add3A_185 = arith.addi %add3A, %add3A_184 : i32
      %mul3A_186 = arith.constant 400 : i32
      %mul3A_187 = arith.muli %add3A_185, %mul3A_186 : i32
      %dma_start3A = tpu.memref_slice %arg2[%mul3A_187] : memref<100000xi32, #tpu.memory_space<hbm>> -> memref<400xi32, #tpu.memory_space<hbm>>
      %dma_start3A_188 = tpu.memref_slice %arg2[%mul3A_187] : memref<100000xi32, #tpu.memory_space<hbm>> -> memref<400xi32, #tpu.memory_space<hbm>>
      tpu.enqueue_dma source(%dma_start3A_188 : memref<400xi32, #tpu.memory_space<hbm>>) target(%arg7 : memref<400xi32, #tpu.memory_space<vmem>>) target_semaphore(%arg18 : memref<!tpu.dma_semaphore, #tpu.memory_space<semaphore_mem>>)
    } else {
    }
    %add3A_9 = arith.constant 32 : i32
    %add3A_10 = arith.addi %add3A, %add3A_9 : i32
    %lt3A_11 = arith.constant 250 : i32
    %lt3A_12 = arith.cmpi slt, %add3A_10, %lt3A_11 : i32
    %convert_element_type3A_13 = arith.extui %lt3A_12 : i1 to i32
    %cond3A_14 = arith.constant 0 : i32
    %cond3A_15 = arith.cmpi ne, %convert_element_type3A_13, %cond3A_14 : i32
    scf.if %cond3A_15 {
      %add3A_184 = arith.constant 32 : i32
      %add3A_185 = arith.addi %add3A, %add3A_184 : i32
      %mul3A_186 = arith.constant 400 : i32
      %mul3A_187 = arith.muli %add3A_185, %mul3A_186 : i32
      %dma_start3A = tpu.memref_slice %arg2[%mul3A_187] : memref<100000xi32, #tpu.memory_space<hbm>> -> memref<400xi32, #tpu.memory_space<hbm>>
      %dma_start3A_188 = tpu.memref_slice %arg2[%mul3A_187] : memref<100000xi32, #tpu.memory_space<hbm>> -> memref<400xi32, #tpu.memory_space<hbm>>
      tpu.enqueue_dma source(%dma_start3A_188 : memref<400xi32, #tpu.memory_space<hbm>>) target(%arg8 : memref<400xi32, #tpu.memory_space<vmem>>) target_semaphore(%arg18 : memref<!tpu.dma_semaphore, #tpu.memory_space<semaphore_mem>>)
    } else {
    }
    %add3A_16 = arith.constant 64 : i32
    %add3A_17 = arith.addi %add3A, %add3A_16 : i32
    %lt3A_18 = arith.constant 250 : i32
    %lt3A_19 = arith.cmpi slt, %add3A_17, %lt3A_18 : i32
    %convert_element_type3A_20 = arith.extui %lt3A_19 : i1 to i32
    %cond3A_21 = arith.constant 0 : i32
    %cond3A_22 = arith.cmpi ne, %convert_element_type3A_20, %cond3A_21 : i32
    scf.if %cond3A_22 {
      %add3A_184 = arith.constant 64 : i32
      %add3A_185 = arith.addi %add3A, %add3A_184 : i32
      %mul3A_186 = arith.constant 400 : i32
      %mul3A_187 = arith.muli %add3A_185, %mul3A_186 : i32
      %dma_start3A = tpu.memref_slice %arg2[%mul3A_187] : memref<100000xi32, #tpu.memory_space<hbm>> -> memref<400xi32, #tpu.memory_space<hbm>>
      %dma_start3A_188 = tpu.memref_slice %arg2[%mul3A_187] : memref<100000xi32, #tpu.memory_space<hbm>> -> memref<400xi32, #tpu.memory_space<hbm>>
      tpu.enqueue_dma source(%dma_start3A_188 : memref<400xi32, #tpu.memory_space<hbm>>) target(%arg9 : memref<400xi32, #tpu.memory_space<vmem>>) target_semaphore(%arg18 : memref<!tpu.dma_semaphore, #tpu.memory_space<semaphore_mem>>)
    } else {
    }
    %add3A_23 = arith.constant 96 : i32
    %add3A_24 = arith.addi %add3A, %add3A_23 : i32
    %lt3A_25 = arith.constant 250 : i32
    %lt3A_26 = arith.cmpi slt, %add3A_24, %lt3A_25 : i32
    %convert_element_type3A_27 = arith.extui %lt3A_26 : i1 to i32
    %cond3A_28 = arith.constant 0 : i32
    %cond3A_29 = arith.cmpi ne, %convert_element_type3A_27, %cond3A_28 : i32
    scf.if %cond3A_29 {
      %add3A_184 = arith.constant 96 : i32
      %add3A_185 = arith.addi %add3A, %add3A_184 : i32
      %mul3A_186 = arith.constant 400 : i32
      %mul3A_187 = arith.muli %add3A_185, %mul3A_186 : i32
      %dma_start3A = tpu.memref_slice %arg2[%mul3A_187] : memref<100000xi32, #tpu.memory_space<hbm>> -> memref<400xi32, #tpu.memory_space<hbm>>
      %dma_start3A_188 = tpu.memref_slice %arg2[%mul3A_187] : memref<100000xi32, #tpu.memory_space<hbm>> -> memref<400xi32, #tpu.memory_space<hbm>>
      tpu.enqueue_dma source(%dma_start3A_188 : memref<400xi32, #tpu.memory_space<hbm>>) target(%arg10 : memref<400xi32, #tpu.memory_space<vmem>>) target_semaphore(%arg18 : memref<!tpu.dma_semaphore, #tpu.memory_space<semaphore_mem>>)
    } else {
    }
    %add3A_30 = arith.constant 128 : i32
    %add3A_31 = arith.addi %add3A, %add3A_30 : i32
    %lt3A_32 = arith.constant 250 : i32
    %lt3A_33 = arith.cmpi slt, %add3A_31, %lt3A_32 : i32
    %convert_element_type3A_34 = arith.extui %lt3A_33 : i1 to i32
    %cond3A_35 = arith.constant 0 : i32
    %cond3A_36 = arith.cmpi ne, %convert_element_type3A_34, %cond3A_35 : i32
    scf.if %cond3A_36 {
      %add3A_184 = arith.constant 128 : i32
      %add3A_185 = arith.addi %add3A, %add3A_184 : i32
      %mul3A_186 = arith.constant 400 : i32
      %mul3A_187 = arith.muli %add3A_185, %mul3A_186 : i32
      %dma_start3A = tpu.memref_slice %arg2[%mul3A_187] : memref<100000xi32, #tpu.memory_space<hbm>> -> memref<400xi32, #tpu.memory_space<hbm>>
      %dma_start3A_188 = tpu.memref_slice %arg2[%mul3A_187] : memref<100000xi32, #tpu.memory_space<hbm>> -> memref<400xi32, #tpu.memory_space<hbm>>
      tpu.enqueue_dma source(%dma_start3A_188 : memref<400xi32, #tpu.memory_space<hbm>>) target(%arg11 : memref<400xi32, #tpu.memory_space<vmem>>) target_semaphore(%arg18 : memref<!tpu.dma_semaphore, #tpu.memory_space<semaphore_mem>>)
    } else {
    }
    %add3A_37 = arith.constant 160 : i32
    %add3A_38 = arith.addi %add3A, %add3A_37 : i32
    %lt3A_39 = arith.constant 250 : i32
    %lt3A_40 = arith.cmpi slt, %add3A_38, %lt3A_39 : i32
    %convert_element_type3A_41 = arith.extui %lt3A_40 : i1 to i32
    %cond3A_42 = arith.constant 0 : i32
    %cond3A_43 = arith.cmpi ne, %convert_element_type3A_41, %cond3A_42 : i32
    scf.if %cond3A_43 {
      %add3A_184 = arith.constant 160 : i32
      %add3A_185 = arith.addi %add3A, %add3A_184 : i32
      %mul3A_186 = arith.constant 400 : i32
      %mul3A_187 = arith.muli %add3A_185, %mul3A_186 : i32
      %dma_start3A = tpu.memref_slice %arg2[%mul3A_187] : memref<100000xi32, #tpu.memory_space<hbm>> -> memref<400xi32, #tpu.memory_space<hbm>>
      %dma_start3A_188 = tpu.memref_slice %arg2[%mul3A_187] : memref<100000xi32, #tpu.memory_space<hbm>> -> memref<400xi32, #tpu.memory_space<hbm>>
      tpu.enqueue_dma source(%dma_start3A_188 : memref<400xi32, #tpu.memory_space<hbm>>) target(%arg12 : memref<400xi32, #tpu.memory_space<vmem>>) target_semaphore(%arg18 : memref<!tpu.dma_semaphore, #tpu.memory_space<semaphore_mem>>)
    } else {
    }
    %add3A_44 = arith.constant 192 : i32
    %add3A_45 = arith.addi %add3A, %add3A_44 : i32
    %lt3A_46 = arith.constant 250 : i32
    %lt3A_47 = arith.cmpi slt, %add3A_45, %lt3A_46 : i32
    %convert_element_type3A_48 = arith.extui %lt3A_47 : i1 to i32
    %cond3A_49 = arith.constant 0 : i32
    %cond3A_50 = arith.cmpi ne, %convert_element_type3A_48, %cond3A_49 : i32
    scf.if %cond3A_50 {
      %add3A_184 = arith.constant 192 : i32
      %add3A_185 = arith.addi %add3A, %add3A_184 : i32
      %mul3A_186 = arith.constant 400 : i32
      %mul3A_187 = arith.muli %add3A_185, %mul3A_186 : i32
      %dma_start3A = tpu.memref_slice %arg2[%mul3A_187] : memref<100000xi32, #tpu.memory_space<hbm>> -> memref<400xi32, #tpu.memory_space<hbm>>
      %dma_start3A_188 = tpu.memref_slice %arg2[%mul3A_187] : memref<100000xi32, #tpu.memory_space<hbm>> -> memref<400xi32, #tpu.memory_space<hbm>>
      tpu.enqueue_dma source(%dma_start3A_188 : memref<400xi32, #tpu.memory_space<hbm>>) target(%arg13 : memref<400xi32, #tpu.memory_space<vmem>>) target_semaphore(%arg18 : memref<!tpu.dma_semaphore, #tpu.memory_space<semaphore_mem>>)
    } else {
    }
    %add3A_51 = arith.constant 224 : i32
    %add3A_52 = arith.addi %add3A, %add3A_51 : i32
    %lt3A_53 = arith.constant 250 : i32
    %lt3A_54 = arith.cmpi slt, %add3A_52, %lt3A_53 : i32
    %convert_element_type3A_55 = arith.extui %lt3A_54 : i1 to i32
    %cond3A_56 = arith.constant 0 : i32
    %cond3A_57 = arith.cmpi ne, %convert_element_type3A_55, %cond3A_56 : i32
    scf.if %cond3A_57 {
      %add3A_184 = arith.constant 224 : i32
      %add3A_185 = arith.addi %add3A, %add3A_184 : i32
      %mul3A_186 = arith.constant 400 : i32
      %mul3A_187 = arith.muli %add3A_185, %mul3A_186 : i32
      %dma_start3A = tpu.memref_slice %arg2[%mul3A_187] : memref<100000xi32, #tpu.memory_space<hbm>> -> memref<400xi32, #tpu.memory_space<hbm>>
      %dma_start3A_188 = tpu.memref_slice %arg2[%mul3A_187] : memref<100000xi32, #tpu.memory_space<hbm>> -> memref<400xi32, #tpu.memory_space<hbm>>
      tpu.enqueue_dma source(%dma_start3A_188 : memref<400xi32, #tpu.memory_space<hbm>>) target(%arg14 : memref<400xi32, #tpu.memory_space<vmem>>) target_semaphore(%arg18 : memref<!tpu.dma_semaphore, #tpu.memory_space<semaphore_mem>>)
    } else {
    }
    %add3A_58 = arith.constant 0 : i32
    %add3A_59 = arith.addi %add3A, %add3A_58 : i32
    %lt3A_60 = arith.constant 250 : i32
    %lt3A_61 = arith.cmpi slt, %add3A_59, %lt3A_60 : i32
    %convert_element_type3A_62 = arith.extui %lt3A_61 : i1 to i32
    %cond3A_63 = arith.constant 0 : i32
    %cond3A_64 = arith.cmpi ne, %convert_element_type3A_62, %cond3A_63 : i32
    scf.if %cond3A_64 {
      %add3A_184 = arith.constant 0 : i32
      %add3A_185 = arith.addi %add3A, %add3A_184 : i32
      %mul3A_186 = arith.constant 400 : i32
      %mul3A_187 = arith.muli %add3A_185, %mul3A_186 : i32
      %dma_wait3A = tpu.memref_slice %arg2[%mul3A_187] : memref<100000xi32, #tpu.memory_space<hbm>> -> memref<400xi32, #tpu.memory_space<hbm>>
      %dma_wait3A_188 = tpu.memref_slice %arg2[%mul3A_187] : memref<100000xi32, #tpu.memory_space<hbm>> -> memref<400xi32, #tpu.memory_space<hbm>>
      tpu.wait_dma2 semaphore(%arg18 : memref<!tpu.dma_semaphore, #tpu.memory_space<semaphore_mem>>) src(%dma_wait3A_188 : memref<400xi32, #tpu.memory_space<hbm>>) dst(%arg7 : memref<400xi32, #tpu.memory_space<vmem>>)
    } else {
    }
    %add3A_65 = arith.constant 32 : i32
    %add3A_66 = arith.addi %add3A, %add3A_65 : i32
    %lt3A_67 = arith.constant 250 : i32
    %lt3A_68 = arith.cmpi slt, %add3A_66, %lt3A_67 : i32
    %convert_element_type3A_69 = arith.extui %lt3A_68 : i1 to i32
    %cond3A_70 = arith.constant 0 : i32
    %cond3A_71 = arith.cmpi ne, %convert_element_type3A_69, %cond3A_70 : i32
    scf.if %cond3A_71 {
      %add3A_184 = arith.constant 32 : i32
      %add3A_185 = arith.addi %add3A, %add3A_184 : i32
      %mul3A_186 = arith.constant 400 : i32
      %mul3A_187 = arith.muli %add3A_185, %mul3A_186 : i32
      %dma_wait3A = tpu.memref_slice %arg2[%mul3A_187] : memref<100000xi32, #tpu.memory_space<hbm>> -> memref<400xi32, #tpu.memory_space<hbm>>
      %dma_wait3A_188 = tpu.memref_slice %arg2[%mul3A_187] : memref<100000xi32, #tpu.memory_space<hbm>> -> memref<400xi32, #tpu.memory_space<hbm>>
      tpu.wait_dma2 semaphore(%arg18 : memref<!tpu.dma_semaphore, #tpu.memory_space<semaphore_mem>>) src(%dma_wait3A_188 : memref<400xi32, #tpu.memory_space<hbm>>) dst(%arg8 : memref<400xi32, #tpu.memory_space<vmem>>)
    } else {
    }
    %add3A_72 = arith.constant 64 : i32
    %add3A_73 = arith.addi %add3A, %add3A_72 : i32
    %lt3A_74 = arith.constant 250 : i32
    %lt3A_75 = arith.cmpi slt, %add3A_73, %lt3A_74 : i32
    %convert_element_type3A_76 = arith.extui %lt3A_75 : i1 to i32
    %cond3A_77 = arith.constant 0 : i32
    %cond3A_78 = arith.cmpi ne, %convert_element_type3A_76, %cond3A_77 : i32
    scf.if %cond3A_78 {
      %add3A_184 = arith.constant 64 : i32
      %add3A_185 = arith.addi %add3A, %add3A_184 : i32
      %mul3A_186 = arith.constant 400 : i32
      %mul3A_187 = arith.muli %add3A_185, %mul3A_186 : i32
      %dma_wait3A = tpu.memref_slice %arg2[%mul3A_187] : memref<100000xi32, #tpu.memory_space<hbm>> -> memref<400xi32, #tpu.memory_space<hbm>>
      %dma_wait3A_188 = tpu.memref_slice %arg2[%mul3A_187] : memref<100000xi32, #tpu.memory_space<hbm>> -> memref<400xi32, #tpu.memory_space<hbm>>
      tpu.wait_dma2 semaphore(%arg18 : memref<!tpu.dma_semaphore, #tpu.memory_space<semaphore_mem>>) src(%dma_wait3A_188 : memref<400xi32, #tpu.memory_space<hbm>>) dst(%arg9 : memref<400xi32, #tpu.memory_space<vmem>>)
    } else {
    }
    %add3A_79 = arith.constant 96 : i32
    %add3A_80 = arith.addi %add3A, %add3A_79 : i32
    %lt3A_81 = arith.constant 250 : i32
    %lt3A_82 = arith.cmpi slt, %add3A_80, %lt3A_81 : i32
    %convert_element_type3A_83 = arith.extui %lt3A_82 : i1 to i32
    %cond3A_84 = arith.constant 0 : i32
    %cond3A_85 = arith.cmpi ne, %convert_element_type3A_83, %cond3A_84 : i32
    scf.if %cond3A_85 {
      %add3A_184 = arith.constant 96 : i32
      %add3A_185 = arith.addi %add3A, %add3A_184 : i32
      %mul3A_186 = arith.constant 400 : i32
      %mul3A_187 = arith.muli %add3A_185, %mul3A_186 : i32
      %dma_wait3A = tpu.memref_slice %arg2[%mul3A_187] : memref<100000xi32, #tpu.memory_space<hbm>> -> memref<400xi32, #tpu.memory_space<hbm>>
      %dma_wait3A_188 = tpu.memref_slice %arg2[%mul3A_187] : memref<100000xi32, #tpu.memory_space<hbm>> -> memref<400xi32, #tpu.memory_space<hbm>>
      tpu.wait_dma2 semaphore(%arg18 : memref<!tpu.dma_semaphore, #tpu.memory_space<semaphore_mem>>) src(%dma_wait3A_188 : memref<400xi32, #tpu.memory_space<hbm>>) dst(%arg10 : memref<400xi32, #tpu.memory_space<vmem>>)
    } else {
    }
    %add3A_86 = arith.constant 128 : i32
    %add3A_87 = arith.addi %add3A, %add3A_86 : i32
    %lt3A_88 = arith.constant 250 : i32
    %lt3A_89 = arith.cmpi slt, %add3A_87, %lt3A_88 : i32
    %convert_element_type3A_90 = arith.extui %lt3A_89 : i1 to i32
    %cond3A_91 = arith.constant 0 : i32
    %cond3A_92 = arith.cmpi ne, %convert_element_type3A_90, %cond3A_91 : i32
    scf.if %cond3A_92 {
      %add3A_184 = arith.constant 128 : i32
      %add3A_185 = arith.addi %add3A, %add3A_184 : i32
      %mul3A_186 = arith.constant 400 : i32
      %mul3A_187 = arith.muli %add3A_185, %mul3A_186 : i32
      %dma_wait3A = tpu.memref_slice %arg2[%mul3A_187] : memref<100000xi32, #tpu.memory_space<hbm>> -> memref<400xi32, #tpu.memory_space<hbm>>
      %dma_wait3A_188 = tpu.memref_slice %arg2[%mul3A_187] : memref<100000xi32, #tpu.memory_space<hbm>> -> memref<400xi32, #tpu.memory_space<hbm>>
      tpu.wait_dma2 semaphore(%arg18 : memref<!tpu.dma_semaphore, #tpu.memory_space<semaphore_mem>>) src(%dma_wait3A_188 : memref<400xi32, #tpu.memory_space<hbm>>) dst(%arg11 : memref<400xi32, #tpu.memory_space<vmem>>)
    } else {
    }
    %add3A_93 = arith.constant 160 : i32
    %add3A_94 = arith.addi %add3A, %add3A_93 : i32
    %lt3A_95 = arith.constant 250 : i32
    %lt3A_96 = arith.cmpi slt, %add3A_94, %lt3A_95 : i32
    %convert_element_type3A_97 = arith.extui %lt3A_96 : i1 to i32
    %cond3A_98 = arith.constant 0 : i32
    %cond3A_99 = arith.cmpi ne, %convert_element_type3A_97, %cond3A_98 : i32
    scf.if %cond3A_99 {
      %add3A_184 = arith.constant 160 : i32
      %add3A_185 = arith.addi %add3A, %add3A_184 : i32
      %mul3A_186 = arith.constant 400 : i32
      %mul3A_187 = arith.muli %add3A_185, %mul3A_186 : i32
      %dma_wait3A = tpu.memref_slice %arg2[%mul3A_187] : memref<100000xi32, #tpu.memory_space<hbm>> -> memref<400xi32, #tpu.memory_space<hbm>>
      %dma_wait3A_188 = tpu.memref_slice %arg2[%mul3A_187] : memref<100000xi32, #tpu.memory_space<hbm>> -> memref<400xi32, #tpu.memory_space<hbm>>
      tpu.wait_dma2 semaphore(%arg18 : memref<!tpu.dma_semaphore, #tpu.memory_space<semaphore_mem>>) src(%dma_wait3A_188 : memref<400xi32, #tpu.memory_space<hbm>>) dst(%arg12 : memref<400xi32, #tpu.memory_space<vmem>>)
    } else {
    }
    %add3A_100 = arith.constant 192 : i32
    %add3A_101 = arith.addi %add3A, %add3A_100 : i32
    %lt3A_102 = arith.constant 250 : i32
    %lt3A_103 = arith.cmpi slt, %add3A_101, %lt3A_102 : i32
    %convert_element_type3A_104 = arith.extui %lt3A_103 : i1 to i32
    %cond3A_105 = arith.constant 0 : i32
    %cond3A_106 = arith.cmpi ne, %convert_element_type3A_104, %cond3A_105 : i32
    scf.if %cond3A_106 {
      %add3A_184 = arith.constant 192 : i32
      %add3A_185 = arith.addi %add3A, %add3A_184 : i32
      %mul3A_186 = arith.constant 400 : i32
      %mul3A_187 = arith.muli %add3A_185, %mul3A_186 : i32
      %dma_wait3A = tpu.memref_slice %arg2[%mul3A_187] : memref<100000xi32, #tpu.memory_space<hbm>> -> memref<400xi32, #tpu.memory_space<hbm>>
      %dma_wait3A_188 = tpu.memref_slice %arg2[%mul3A_187] : memref<100000xi32, #tpu.memory_space<hbm>> -> memref<400xi32, #tpu.memory_space<hbm>>
      tpu.wait_dma2 semaphore(%arg18 : memref<!tpu.dma_semaphore, #tpu.memory_space<semaphore_mem>>) src(%dma_wait3A_188 : memref<400xi32, #tpu.memory_space<hbm>>) dst(%arg13 : memref<400xi32, #tpu.memory_space<vmem>>)
    } else {
    }
    %add3A_107 = arith.constant 224 : i32
    %add3A_108 = arith.addi %add3A, %add3A_107 : i32
    %lt3A_109 = arith.constant 250 : i32
    %lt3A_110 = arith.cmpi slt, %add3A_108, %lt3A_109 : i32
    %convert_element_type3A_111 = arith.extui %lt3A_110 : i1 to i32
    %cond3A_112 = arith.constant 0 : i32
    %cond3A_113 = arith.cmpi ne, %convert_element_type3A_111, %cond3A_112 : i32
    scf.if %cond3A_113 {
      %add3A_184 = arith.constant 224 : i32
      %add3A_185 = arith.addi %add3A, %add3A_184 : i32
      %mul3A_186 = arith.constant 400 : i32
      %mul3A_187 = arith.muli %add3A_185, %mul3A_186 : i32
      %dma_wait3A = tpu.memref_slice %arg2[%mul3A_187] : memref<100000xi32, #tpu.memory_space<hbm>> -> memref<400xi32, #tpu.memory_space<hbm>>
      %dma_wait3A_188 = tpu.memref_slice %arg2[%mul3A_187] : memref<100000xi32, #tpu.memory_space<hbm>> -> memref<400xi32, #tpu.memory_space<hbm>>
      tpu.wait_dma2 semaphore(%arg18 : memref<!tpu.dma_semaphore, #tpu.memory_space<semaphore_mem>>) src(%dma_wait3A_188 : memref<400xi32, #tpu.memory_space<hbm>>) dst(%arg14 : memref<400xi32, #tpu.memory_space<vmem>>)
    } else {
    }
    %add3A_114 = arith.constant 0 : i32
    %add3A_115 = arith.addi %add3A, %add3A_114 : i32
    %lt3A_116 = arith.constant 250 : i32
    %lt3A_117 = arith.cmpi slt, %add3A_115, %lt3A_116 : i32
    %convert_element_type3A_118 = arith.extui %lt3A_117 : i1 to i32
    %cond3A_119 = arith.constant 0 : i32
    %cond3A_120 = arith.cmpi ne, %convert_element_type3A_118, %cond3A_119 : i32
    scf.if %cond3A_120 {
      %dma_start3A = arith.constant 0 : i32
      %dma_start3A_184 = arith.constant 0 : i32
      %dma_start3A_185 = arith.constant 0 : i32
      %dma_start3A_186 = tpu.memref_slice %arg6[%dma_start3A, %dma_start3A_184, %dma_start3A_185] : memref<2x400x128xf32, #tpu.memory_space<vmem>> -> memref<1x400x128xf32, #tpu.memory_space<vmem>>
      %dma_start3A_187 = tpu.memref_squeeze %dma_start3A_186 : memref<1x400x128xf32, #tpu.memory_space<vmem>> -> memref<400x128xf32, #tpu.memory_space<vmem>>
      %dma_start3A_188 = arith.constant 0 : i32
      %dma_start3A_189 = arith.constant 0 : i32
      %dma_start3A_190 = tpu.memref_slice %arg5[%dma_start3A_188, %dma_start3A_189] : memref<20x128xf32, #tpu.memory_space<vmem_shared>> -> memref<20x128xf32, #tpu.memory_space<vmem_shared>>
      tpu.enqueue_indirect_dma source(%dma_start3A_190 : memref<20x128xf32, #tpu.memory_space<vmem_shared>>) target(%dma_start3A_187 : memref<400x128xf32, #tpu.memory_space<vmem>>) offsets(%arg7 : memref<400xi32, #tpu.memory_space<vmem>>) semaphore(%arg15 : memref<!tpu.dma_semaphore, #tpu.memory_space<semaphore_mem>>)
      %dma_wait3A = arith.constant 0 : i32
      %dma_wait3A_191 = arith.constant 0 : i32
      %dma_wait3A_192 = arith.constant 0 : i32
      %dma_wait3A_193 = tpu.memref_slice %arg6[%dma_wait3A, %dma_wait3A_191, %dma_wait3A_192] : memref<2x400x128xf32, #tpu.memory_space<vmem>> -> memref<1x400x128xf32, #tpu.memory_space<vmem>>
      %dma_wait3A_194 = tpu.memref_squeeze %dma_wait3A_193 : memref<1x400x128xf32, #tpu.memory_space<vmem>> -> memref<400x128xf32, #tpu.memory_space<vmem>>
      %dma_wait3A_195 = arith.constant 0 : i32
      %dma_wait3A_196 = arith.constant 0 : i32
      %dma_wait3A_197 = tpu.memref_slice %arg5[%dma_wait3A_195, %dma_wait3A_196] : memref<20x128xf32, #tpu.memory_space<vmem_shared>> -> memref<20x128xf32, #tpu.memory_space<vmem_shared>>
      tpu.wait_indirect_dma semaphore(%arg15 : memref<!tpu.dma_semaphore, #tpu.memory_space<semaphore_mem>>) src(%dma_wait3A_197 : memref<20x128xf32, #tpu.memory_space<vmem_shared>>) dst(%dma_wait3A_194 : memref<400x128xf32, #tpu.memory_space<vmem>>)
      %add3A_198 = arith.constant 0 : i32
      %add3A_199 = arith.addi %add3A, %add3A_198 : i32
      %mul3A_200 = arith.constant 400 : i32
      %mul3A_201 = arith.muli %add3A_199, %mul3A_200 : i32
      %dma_start3A_202 = arith.constant 0 : i32
      %dma_start3A_203 = arith.constant 0 : i32
      %dma_start3A_204 = arith.constant 0 : i32
      %dma_start3A_205 = tpu.memref_slice %arg6[%dma_start3A_202, %dma_start3A_203, %dma_start3A_204] : memref<2x400x128xf32, #tpu.memory_space<vmem>> -> memref<1x400x128xf32, #tpu.memory_space<vmem>>
      %dma_start3A_206 = tpu.memref_squeeze %dma_start3A_205 : memref<1x400x128xf32, #tpu.memory_space<vmem>> -> memref<400x128xf32, #tpu.memory_space<vmem>>
      %dma_start3A_207 = arith.constant 0 : i32
      %dma_start3A_208 = tpu.memref_slice %arg4[%mul3A_201, %dma_start3A_207] : memref<100000x128xf32, #tpu.memory_space<hbm>> -> memref<400x128xf32, #tpu.memory_space<hbm>>
      %dma_start3A_209 = arith.constant 0 : i32
      %dma_start3A_210 = tpu.memref_slice %arg4[%mul3A_201, %dma_start3A_209] : memref<100000x128xf32, #tpu.memory_space<hbm>> -> memref<400x128xf32, #tpu.memory_space<hbm>>
      %dma_start3A_211 = arith.constant 0 : i32
      %dma_start3A_212 = arith.constant 0 : i32
      %dma_start3A_213 = tpu.memref_slice %arg6[%dma_start3A_202, %dma_start3A_211, %dma_start3A_212] : memref<2x400x128xf32, #tpu.memory_space<vmem>> -> memref<1x400x128xf32, #tpu.memory_space<vmem>>
      %dma_start3A_214 = tpu.memref_squeeze %dma_start3A_213 : memref<1x400x128xf32, #tpu.memory_space<vmem>> -> memref<400x128xf32, #tpu.memory_space<vmem>>
      tpu.enqueue_dma source(%dma_start3A_214 : memref<400x128xf32, #tpu.memory_space<vmem>>) target(%dma_start3A_210 : memref<400x128xf32, #tpu.memory_space<hbm>>) target_semaphore(%arg16 : memref<!tpu.dma_semaphore, #tpu.memory_space<semaphore_mem>>)
    } else {
    }
    %add3A_121 = arith.constant 32 : i32
    %add3A_122 = arith.addi %add3A, %add3A_121 : i32
    %lt3A_123 = arith.constant 250 : i32
    %lt3A_124 = arith.cmpi slt, %add3A_122, %lt3A_123 : i32
    %convert_element_type3A_125 = arith.extui %lt3A_124 : i1 to i32
    %cond3A_126 = arith.constant 0 : i32
    %cond3A_127 = arith.cmpi ne, %convert_element_type3A_125, %cond3A_126 : i32
    scf.if %cond3A_127 {
      %dma_start3A = arith.constant 1 : i32
      %dma_start3A_184 = arith.constant 0 : i32
      %dma_start3A_185 = arith.constant 0 : i32
      %dma_start3A_186 = tpu.memref_slice %arg6[%dma_start3A, %dma_start3A_184, %dma_start3A_185] : memref<2x400x128xf32, #tpu.memory_space<vmem>> -> memref<1x400x128xf32, #tpu.memory_space<vmem>>
      %dma_start3A_187 = tpu.memref_squeeze %dma_start3A_186 : memref<1x400x128xf32, #tpu.memory_space<vmem>> -> memref<400x128xf32, #tpu.memory_space<vmem>>
      %dma_start3A_188 = arith.constant 0 : i32
      %dma_start3A_189 = arith.constant 0 : i32
      %dma_start3A_190 = tpu.memref_slice %arg5[%dma_start3A_188, %dma_start3A_189] : memref<20x128xf32, #tpu.memory_space<vmem_shared>> -> memref<20x128xf32, #tpu.memory_space<vmem_shared>>
      tpu.enqueue_indirect_dma source(%dma_start3A_190 : memref<20x128xf32, #tpu.memory_space<vmem_shared>>) target(%dma_start3A_187 : memref<400x128xf32, #tpu.memory_space<vmem>>) offsets(%arg8 : memref<400xi32, #tpu.memory_space<vmem>>) semaphore(%arg15 : memref<!tpu.dma_semaphore, #tpu.memory_space<semaphore_mem>>)
      %dma_wait3A = arith.constant 1 : i32
      %dma_wait3A_191 = arith.constant 0 : i32
      %dma_wait3A_192 = arith.constant 0 : i32
      %dma_wait3A_193 = tpu.memref_slice %arg6[%dma_wait3A, %dma_wait3A_191, %dma_wait3A_192] : memref<2x400x128xf32, #tpu.memory_space<vmem>> -> memref<1x400x128xf32, #tpu.memory_space<vmem>>
      %dma_wait3A_194 = tpu.memref_squeeze %dma_wait3A_193 : memref<1x400x128xf32, #tpu.memory_space<vmem>> -> memref<400x128xf32, #tpu.memory_space<vmem>>
      %dma_wait3A_195 = arith.constant 0 : i32
      %dma_wait3A_196 = arith.constant 0 : i32
      %dma_wait3A_197 = tpu.memref_slice %arg5[%dma_wait3A_195, %dma_wait3A_196] : memref<20x128xf32, #tpu.memory_space<vmem_shared>> -> memref<20x128xf32, #tpu.memory_space<vmem_shared>>
      tpu.wait_indirect_dma semaphore(%arg15 : memref<!tpu.dma_semaphore, #tpu.memory_space<semaphore_mem>>) src(%dma_wait3A_197 : memref<20x128xf32, #tpu.memory_space<vmem_shared>>) dst(%dma_wait3A_194 : memref<400x128xf32, #tpu.memory_space<vmem>>)
      %add3A_198 = arith.constant 32 : i32
      %add3A_199 = arith.addi %add3A, %add3A_198 : i32
      %mul3A_200 = arith.constant 400 : i32
      %mul3A_201 = arith.muli %add3A_199, %mul3A_200 : i32
      %dma_start3A_202 = arith.constant 1 : i32
      %dma_start3A_203 = arith.constant 0 : i32
      %dma_start3A_204 = arith.constant 0 : i32
      %dma_start3A_205 = tpu.memref_slice %arg6[%dma_start3A_202, %dma_start3A_203, %dma_start3A_204] : memref<2x400x128xf32, #tpu.memory_space<vmem>> -> memref<1x400x128xf32, #tpu.memory_space<vmem>>
      %dma_start3A_206 = tpu.memref_squeeze %dma_start3A_205 : memref<1x400x128xf32, #tpu.memory_space<vmem>> -> memref<400x128xf32, #tpu.memory_space<vmem>>
      %dma_start3A_207 = arith.constant 0 : i32
      %dma_start3A_208 = tpu.memref_slice %arg4[%mul3A_201, %dma_start3A_207] : memref<100000x128xf32, #tpu.memory_space<hbm>> -> memref<400x128xf32, #tpu.memory_space<hbm>>
      %dma_start3A_209 = arith.constant 0 : i32
      %dma_start3A_210 = tpu.memref_slice %arg4[%mul3A_201, %dma_start3A_209] : memref<100000x128xf32, #tpu.memory_space<hbm>> -> memref<400x128xf32, #tpu.memory_space<hbm>>
      %dma_start3A_211 = arith.constant 0 : i32
      %dma_start3A_212 = arith.constant 0 : i32
      %dma_start3A_213 = tpu.memref_slice %arg6[%dma_start3A_202, %dma_start3A_211, %dma_start3A_212] : memref<2x400x128xf32, #tpu.memory_space<vmem>> -> memref<1x400x128xf32, #tpu.memory_space<vmem>>
      %dma_start3A_214 = tpu.memref_squeeze %dma_start3A_213 : memref<1x400x128xf32, #tpu.memory_space<vmem>> -> memref<400x128xf32, #tpu.memory_space<vmem>>
      tpu.enqueue_dma source(%dma_start3A_214 : memref<400x128xf32, #tpu.memory_space<vmem>>) target(%dma_start3A_210 : memref<400x128xf32, #tpu.memory_space<hbm>>) target_semaphore(%arg17 : memref<!tpu.dma_semaphore, #tpu.memory_space<semaphore_mem>>)
    } else {
    }
    %add3A_128 = arith.constant 64 : i32
    %add3A_129 = arith.addi %add3A, %add3A_128 : i32
    %lt3A_130 = arith.constant 250 : i32
    %lt3A_131 = arith.cmpi slt, %add3A_129, %lt3A_130 : i32
    %convert_element_type3A_132 = arith.extui %lt3A_131 : i1 to i32
    %cond3A_133 = arith.constant 0 : i32
    %cond3A_134 = arith.cmpi ne, %convert_element_type3A_132, %cond3A_133 : i32
    scf.if %cond3A_134 {
      %add3A_184 = arith.constant 0 : i32
      %add3A_185 = arith.addi %add3A, %add3A_184 : i32
      %mul3A_186 = arith.constant 400 : i32
      %mul3A_187 = arith.muli %add3A_185, %mul3A_186 : i32
      %dma_wait3A = arith.constant 0 : i32
      %dma_wait3A_188 = arith.constant 0 : i32
      %dma_wait3A_189 = arith.constant 0 : i32
      %dma_wait3A_190 = tpu.memref_slice %arg6[%dma_wait3A, %dma_wait3A_188, %dma_wait3A_189] : memref<2x400x128xf32, #tpu.memory_space<vmem>> -> memref<1x400x128xf32, #tpu.memory_space<vmem>>
      %dma_wait3A_191 = tpu.memref_squeeze %dma_wait3A_190 : memref<1x400x128xf32, #tpu.memory_space<vmem>> -> memref<400x128xf32, #tpu.memory_space<vmem>>
      %dma_wait3A_192 = arith.constant 0 : i32
      %dma_wait3A_193 = tpu.memref_slice %arg4[%mul3A_187, %dma_wait3A_192] : memref<100000x128xf32, #tpu.memory_space<hbm>> -> memref<400x128xf32, #tpu.memory_space<hbm>>
      %dma_wait3A_194 = arith.constant 0 : i32
      %dma_wait3A_195 = tpu.memref_slice %arg4[%mul3A_187, %dma_wait3A_194] : memref<100000x128xf32, #tpu.memory_space<hbm>> -> memref<400x128xf32, #tpu.memory_space<hbm>>
      %dma_wait3A_196 = arith.constant 0 : i32
      %dma_wait3A_197 = arith.constant 0 : i32
      %dma_wait3A_198 = tpu.memref_slice %arg6[%dma_wait3A, %dma_wait3A_196, %dma_wait3A_197] : memref<2x400x128xf32, #tpu.memory_space<vmem>> -> memref<1x400x128xf32, #tpu.memory_space<vmem>>
      %dma_wait3A_199 = tpu.memref_squeeze %dma_wait3A_198 : memref<1x400x128xf32, #tpu.memory_space<vmem>> -> memref<400x128xf32, #tpu.memory_space<vmem>>
      tpu.wait_dma2 semaphore(%arg16 : memref<!tpu.dma_semaphore, #tpu.memory_space<semaphore_mem>>) src(%dma_wait3A_199 : memref<400x128xf32, #tpu.memory_space<vmem>>) dst(%dma_wait3A_195 : memref<400x128xf32, #tpu.memory_space<hbm>>)
      %dma_start3A = arith.constant 0 : i32
      %dma_start3A_200 = arith.constant 0 : i32
      %dma_start3A_201 = arith.constant 0 : i32
      %dma_start3A_202 = tpu.memref_slice %arg6[%dma_start3A, %dma_start3A_200, %dma_start3A_201] : memref<2x400x128xf32, #tpu.memory_space<vmem>> -> memref<1x400x128xf32, #tpu.memory_space<vmem>>
      %dma_start3A_203 = tpu.memref_squeeze %dma_start3A_202 : memref<1x400x128xf32, #tpu.memory_space<vmem>> -> memref<400x128xf32, #tpu.memory_space<vmem>>
      %dma_start3A_204 = arith.constant 0 : i32
      %dma_start3A_205 = arith.constant 0 : i32
      %dma_start3A_206 = tpu.memref_slice %arg5[%dma_start3A_204, %dma_start3A_205] : memref<20x128xf32, #tpu.memory_space<vmem_shared>> -> memref<20x128xf32, #tpu.memory_space<vmem_shared>>
      tpu.enqueue_indirect_dma source(%dma_start3A_206 : memref<20x128xf32, #tpu.memory_space<vmem_shared>>) target(%dma_start3A_203 : memref<400x128xf32, #tpu.memory_space<vmem>>) offsets(%arg9 : memref<400xi32, #tpu.memory_space<vmem>>) semaphore(%arg15 : memref<!tpu.dma_semaphore, #tpu.memory_space<semaphore_mem>>)
      %dma_wait3A_207 = arith.constant 0 : i32
      %dma_wait3A_208 = arith.constant 0 : i32
      %dma_wait3A_209 = arith.constant 0 : i32
      %dma_wait3A_210 = tpu.memref_slice %arg6[%dma_wait3A_207, %dma_wait3A_208, %dma_wait3A_209] : memref<2x400x128xf32, #tpu.memory_space<vmem>> -> memref<1x400x128xf32, #tpu.memory_space<vmem>>
      %dma_wait3A_211 = tpu.memref_squeeze %dma_wait3A_210 : memref<1x400x128xf32, #tpu.memory_space<vmem>> -> memref<400x128xf32, #tpu.memory_space<vmem>>
      %dma_wait3A_212 = arith.constant 0 : i32
      %dma_wait3A_213 = arith.constant 0 : i32
      %dma_wait3A_214 = tpu.memref_slice %arg5[%dma_wait3A_212, %dma_wait3A_213] : memref<20x128xf32, #tpu.memory_space<vmem_shared>> -> memref<20x128xf32, #tpu.memory_space<vmem_shared>>
      tpu.wait_indirect_dma semaphore(%arg15 : memref<!tpu.dma_semaphore, #tpu.memory_space<semaphore_mem>>) src(%dma_wait3A_214 : memref<20x128xf32, #tpu.memory_space<vmem_shared>>) dst(%dma_wait3A_211 : memref<400x128xf32, #tpu.memory_space<vmem>>)
      %add3A_215 = arith.constant 64 : i32
      %add3A_216 = arith.addi %add3A, %add3A_215 : i32
      %mul3A_217 = arith.constant 400 : i32
      %mul3A_218 = arith.muli %add3A_216, %mul3A_217 : i32
      %dma_start3A_219 = arith.constant 0 : i32
      %dma_start3A_220 = arith.constant 0 : i32
      %dma_start3A_221 = arith.constant 0 : i32
      %dma_start3A_222 = tpu.memref_slice %arg6[%dma_start3A_219, %dma_start3A_220, %dma_start3A_221] : memref<2x400x128xf32, #tpu.memory_space<vmem>> -> memref<1x400x128xf32, #tpu.memory_space<vmem>>
      %dma_start3A_223 = tpu.memref_squeeze %dma_start3A_222 : memref<1x400x128xf32, #tpu.memory_space<vmem>> -> memref<400x128xf32, #tpu.memory_space<vmem>>
      %dma_start3A_224 = arith.constant 0 : i32
      %dma_start3A_225 = tpu.memref_slice %arg4[%mul3A_218, %dma_start3A_224] : memref<100000x128xf32, #tpu.memory_space<hbm>> -> memref<400x128xf32, #tpu.memory_space<hbm>>
      %dma_start3A_226 = arith.constant 0 : i32
      %dma_start3A_227 = tpu.memref_slice %arg4[%mul3A_218, %dma_start3A_226] : memref<100000x128xf32, #tpu.memory_space<hbm>> -> memref<400x128xf32, #tpu.memory_space<hbm>>
      %dma_start3A_228 = arith.constant 0 : i32
      %dma_start3A_229 = arith.constant 0 : i32
      %dma_start3A_230 = tpu.memref_slice %arg6[%dma_start3A_219, %dma_start3A_228, %dma_start3A_229] : memref<2x400x128xf32, #tpu.memory_space<vmem>> -> memref<1x400x128xf32, #tpu.memory_space<vmem>>
      %dma_start3A_231 = tpu.memref_squeeze %dma_start3A_230 : memref<1x400x128xf32, #tpu.memory_space<vmem>> -> memref<400x128xf32, #tpu.memory_space<vmem>>
      tpu.enqueue_dma source(%dma_start3A_231 : memref<400x128xf32, #tpu.memory_space<vmem>>) target(%dma_start3A_227 : memref<400x128xf32, #tpu.memory_space<hbm>>) target_semaphore(%arg16 : memref<!tpu.dma_semaphore, #tpu.memory_space<semaphore_mem>>)
    } else {
    }
    %add3A_135 = arith.constant 96 : i32
    %add3A_136 = arith.addi %add3A, %add3A_135 : i32
    %lt3A_137 = arith.constant 250 : i32
    %lt3A_138 = arith.cmpi slt, %add3A_136, %lt3A_137 : i32
    %convert_element_type3A_139 = arith.extui %lt3A_138 : i1 to i32
    %cond3A_140 = arith.constant 0 : i32
    %cond3A_141 = arith.cmpi ne, %convert_element_type3A_139, %cond3A_140 : i32
    scf.if %cond3A_141 {
      %add3A_184 = arith.constant 32 : i32
      %add3A_185 = arith.addi %add3A, %add3A_184 : i32
      %mul3A_186 = arith.constant 400 : i32
      %mul3A_187 = arith.muli %add3A_185, %mul3A_186 : i32
      %dma_wait3A = arith.constant 1 : i32
      %dma_wait3A_188 = arith.constant 0 : i32
      %dma_wait3A_189 = arith.constant 0 : i32
      %dma_wait3A_190 = tpu.memref_slice %arg6[%dma_wait3A, %dma_wait3A_188, %dma_wait3A_189] : memref<2x400x128xf32, #tpu.memory_space<vmem>> -> memref<1x400x128xf32, #tpu.memory_space<vmem>>
      %dma_wait3A_191 = tpu.memref_squeeze %dma_wait3A_190 : memref<1x400x128xf32, #tpu.memory_space<vmem>> -> memref<400x128xf32, #tpu.memory_space<vmem>>
      %dma_wait3A_192 = arith.constant 0 : i32
      %dma_wait3A_193 = tpu.memref_slice %arg4[%mul3A_187, %dma_wait3A_192] : memref<100000x128xf32, #tpu.memory_space<hbm>> -> memref<400x128xf32, #tpu.memory_space<hbm>>
      %dma_wait3A_194 = arith.constant 0 : i32
      %dma_wait3A_195 = tpu.memref_slice %arg4[%mul3A_187, %dma_wait3A_194] : memref<100000x128xf32, #tpu.memory_space<hbm>> -> memref<400x128xf32, #tpu.memory_space<hbm>>
      %dma_wait3A_196 = arith.constant 0 : i32
      %dma_wait3A_197 = arith.constant 0 : i32
      %dma_wait3A_198 = tpu.memref_slice %arg6[%dma_wait3A, %dma_wait3A_196, %dma_wait3A_197] : memref<2x400x128xf32, #tpu.memory_space<vmem>> -> memref<1x400x128xf32, #tpu.memory_space<vmem>>
      %dma_wait3A_199 = tpu.memref_squeeze %dma_wait3A_198 : memref<1x400x128xf32, #tpu.memory_space<vmem>> -> memref<400x128xf32, #tpu.memory_space<vmem>>
      tpu.wait_dma2 semaphore(%arg17 : memref<!tpu.dma_semaphore, #tpu.memory_space<semaphore_mem>>) src(%dma_wait3A_199 : memref<400x128xf32, #tpu.memory_space<vmem>>) dst(%dma_wait3A_195 : memref<400x128xf32, #tpu.memory_space<hbm>>)
      %dma_start3A = arith.constant 1 : i32
      %dma_start3A_200 = arith.constant 0 : i32
      %dma_start3A_201 = arith.constant 0 : i32
      %dma_start3A_202 = tpu.memref_slice %arg6[%dma_start3A, %dma_start3A_200, %dma_start3A_201] : memref<2x400x128xf32, #tpu.memory_space<vmem>> -> memref<1x400x128xf32, #tpu.memory_space<vmem>>
      %dma_start3A_203 = tpu.memref_squeeze %dma_start3A_202 : memref<1x400x128xf32, #tpu.memory_space<vmem>> -> memref<400x128xf32, #tpu.memory_space<vmem>>
      %dma_start3A_204 = arith.constant 0 : i32
      %dma_start3A_205 = arith.constant 0 : i32
      %dma_start3A_206 = tpu.memref_slice %arg5[%dma_start3A_204, %dma_start3A_205] : memref<20x128xf32, #tpu.memory_space<vmem_shared>> -> memref<20x128xf32, #tpu.memory_space<vmem_shared>>
      tpu.enqueue_indirect_dma source(%dma_start3A_206 : memref<20x128xf32, #tpu.memory_space<vmem_shared>>) target(%dma_start3A_203 : memref<400x128xf32, #tpu.memory_space<vmem>>) offsets(%arg10 : memref<400xi32, #tpu.memory_space<vmem>>) semaphore(%arg15 : memref<!tpu.dma_semaphore, #tpu.memory_space<semaphore_mem>>)
      %dma_wait3A_207 = arith.constant 1 : i32
      %dma_wait3A_208 = arith.constant 0 : i32
      %dma_wait3A_209 = arith.constant 0 : i32
      %dma_wait3A_210 = tpu.memref_slice %arg6[%dma_wait3A_207, %dma_wait3A_208, %dma_wait3A_209] : memref<2x400x128xf32, #tpu.memory_space<vmem>> -> memref<1x400x128xf32, #tpu.memory_space<vmem>>
      %dma_wait3A_211 = tpu.memref_squeeze %dma_wait3A_210 : memref<1x400x128xf32, #tpu.memory_space<vmem>> -> memref<400x128xf32, #tpu.memory_space<vmem>>
      %dma_wait3A_212 = arith.constant 0 : i32
      %dma_wait3A_213 = arith.constant 0 : i32
      %dma_wait3A_214 = tpu.memref_slice %arg5[%dma_wait3A_212, %dma_wait3A_213] : memref<20x128xf32, #tpu.memory_space<vmem_shared>> -> memref<20x128xf32, #tpu.memory_space<vmem_shared>>
      tpu.wait_indirect_dma semaphore(%arg15 : memref<!tpu.dma_semaphore, #tpu.memory_space<semaphore_mem>>) src(%dma_wait3A_214 : memref<20x128xf32, #tpu.memory_space<vmem_shared>>) dst(%dma_wait3A_211 : memref<400x128xf32, #tpu.memory_space<vmem>>)
      %add3A_215 = arith.constant 96 : i32
      %add3A_216 = arith.addi %add3A, %add3A_215 : i32
      %mul3A_217 = arith.constant 400 : i32
      %mul3A_218 = arith.muli %add3A_216, %mul3A_217 : i32
      %dma_start3A_219 = arith.constant 1 : i32
      %dma_start3A_220 = arith.constant 0 : i32
      %dma_start3A_221 = arith.constant 0 : i32
      %dma_start3A_222 = tpu.memref_slice %arg6[%dma_start3A_219, %dma_start3A_220, %dma_start3A_221] : memref<2x400x128xf32, #tpu.memory_space<vmem>> -> memref<1x400x128xf32, #tpu.memory_space<vmem>>
      %dma_start3A_223 = tpu.memref_squeeze %dma_start3A_222 : memref<1x400x128xf32, #tpu.memory_space<vmem>> -> memref<400x128xf32, #tpu.memory_space<vmem>>
      %dma_start3A_224 = arith.constant 0 : i32
      %dma_start3A_225 = tpu.memref_slice %arg4[%mul3A_218, %dma_start3A_224] : memref<100000x128xf32, #tpu.memory_space<hbm>> -> memref<400x128xf32, #tpu.memory_space<hbm>>
      %dma_start3A_226 = arith.constant 0 : i32
      %dma_start3A_227 = tpu.memref_slice %arg4[%mul3A_218, %dma_start3A_226] : memref<100000x128xf32, #tpu.memory_space<hbm>> -> memref<400x128xf32, #tpu.memory_space<hbm>>
      %dma_start3A_228 = arith.constant 0 : i32
      %dma_start3A_229 = arith.constant 0 : i32
      %dma_start3A_230 = tpu.memref_slice %arg6[%dma_start3A_219, %dma_start3A_228, %dma_start3A_229] : memref<2x400x128xf32, #tpu.memory_space<vmem>> -> memref<1x400x128xf32, #tpu.memory_space<vmem>>
      %dma_start3A_231 = tpu.memref_squeeze %dma_start3A_230 : memref<1x400x128xf32, #tpu.memory_space<vmem>> -> memref<400x128xf32, #tpu.memory_space<vmem>>
      tpu.enqueue_dma source(%dma_start3A_231 : memref<400x128xf32, #tpu.memory_space<vmem>>) target(%dma_start3A_227 : memref<400x128xf32, #tpu.memory_space<hbm>>) target_semaphore(%arg17 : memref<!tpu.dma_semaphore, #tpu.memory_space<semaphore_mem>>)
    } else {
    }
    %add3A_142 = arith.constant 128 : i32
    %add3A_143 = arith.addi %add3A, %add3A_142 : i32
    %lt3A_144 = arith.constant 250 : i32
    %lt3A_145 = arith.cmpi slt, %add3A_143, %lt3A_144 : i32
    %convert_element_type3A_146 = arith.extui %lt3A_145 : i1 to i32
    %cond3A_147 = arith.constant 0 : i32
    %cond3A_148 = arith.cmpi ne, %convert_element_type3A_146, %cond3A_147 : i32
    scf.if %cond3A_148 {
      %add3A_184 = arith.constant 64 : i32
      %add3A_185 = arith.addi %add3A, %add3A_184 : i32
      %mul3A_186 = arith.constant 400 : i32
      %mul3A_187 = arith.muli %add3A_185, %mul3A_186 : i32
      %dma_wait3A = arith.constant 0 : i32
      %dma_wait3A_188 = arith.constant 0 : i32
      %dma_wait3A_189 = arith.constant 0 : i32
      %dma_wait3A_190 = tpu.memref_slice %arg6[%dma_wait3A, %dma_wait3A_188, %dma_wait3A_189] : memref<2x400x128xf32, #tpu.memory_space<vmem>> -> memref<1x400x128xf32, #tpu.memory_space<vmem>>
      %dma_wait3A_191 = tpu.memref_squeeze %dma_wait3A_190 : memref<1x400x128xf32, #tpu.memory_space<vmem>> -> memref<400x128xf32, #tpu.memory_space<vmem>>
      %dma_wait3A_192 = arith.constant 0 : i32
      %dma_wait3A_193 = tpu.memref_slice %arg4[%mul3A_187, %dma_wait3A_192] : memref<100000x128xf32, #tpu.memory_space<hbm>> -> memref<400x128xf32, #tpu.memory_space<hbm>>
      %dma_wait3A_194 = arith.constant 0 : i32
      %dma_wait3A_195 = tpu.memref_slice %arg4[%mul3A_187, %dma_wait3A_194] : memref<100000x128xf32, #tpu.memory_space<hbm>> -> memref<400x128xf32, #tpu.memory_space<hbm>>
      %dma_wait3A_196 = arith.constant 0 : i32
      %dma_wait3A_197 = arith.constant 0 : i32
      %dma_wait3A_198 = tpu.memref_slice %arg6[%dma_wait3A, %dma_wait3A_196, %dma_wait3A_197] : memref<2x400x128xf32, #tpu.memory_space<vmem>> -> memref<1x400x128xf32, #tpu.memory_space<vmem>>
      %dma_wait3A_199 = tpu.memref_squeeze %dma_wait3A_198 : memref<1x400x128xf32, #tpu.memory_space<vmem>> -> memref<400x128xf32, #tpu.memory_space<vmem>>
      tpu.wait_dma2 semaphore(%arg16 : memref<!tpu.dma_semaphore, #tpu.memory_space<semaphore_mem>>) src(%dma_wait3A_199 : memref<400x128xf32, #tpu.memory_space<vmem>>) dst(%dma_wait3A_195 : memref<400x128xf32, #tpu.memory_space<hbm>>)
      %dma_start3A = arith.constant 0 : i32
      %dma_start3A_200 = arith.constant 0 : i32
      %dma_start3A_201 = arith.constant 0 : i32
      %dma_start3A_202 = tpu.memref_slice %arg6[%dma_start3A, %dma_start3A_200, %dma_start3A_201] : memref<2x400x128xf32, #tpu.memory_space<vmem>> -> memref<1x400x128xf32, #tpu.memory_space<vmem>>
      %dma_start3A_203 = tpu.memref_squeeze %dma_start3A_202 : memref<1x400x128xf32, #tpu.memory_space<vmem>> -> memref<400x128xf32, #tpu.memory_space<vmem>>
      %dma_start3A_204 = arith.constant 0 : i32
      %dma_start3A_205 = arith.constant 0 : i32
      %dma_start3A_206 = tpu.memref_slice %arg5[%dma_start3A_204, %dma_start3A_205] : memref<20x128xf32, #tpu.memory_space<vmem_shared>> -> memref<20x128xf32, #tpu.memory_space<vmem_shared>>
      tpu.enqueue_indirect_dma source(%dma_start3A_206 : memref<20x128xf32, #tpu.memory_space<vmem_shared>>) target(%dma_start3A_203 : memref<400x128xf32, #tpu.memory_space<vmem>>) offsets(%arg11 : memref<400xi32, #tpu.memory_space<vmem>>) semaphore(%arg15 : memref<!tpu.dma_semaphore, #tpu.memory_space<semaphore_mem>>)
      %dma_wait3A_207 = arith.constant 0 : i32
      %dma_wait3A_208 = arith.constant 0 : i32
      %dma_wait3A_209 = arith.constant 0 : i32
      %dma_wait3A_210 = tpu.memref_slice %arg6[%dma_wait3A_207, %dma_wait3A_208, %dma_wait3A_209] : memref<2x400x128xf32, #tpu.memory_space<vmem>> -> memref<1x400x128xf32, #tpu.memory_space<vmem>>
      %dma_wait3A_211 = tpu.memref_squeeze %dma_wait3A_210 : memref<1x400x128xf32, #tpu.memory_space<vmem>> -> memref<400x128xf32, #tpu.memory_space<vmem>>
      %dma_wait3A_212 = arith.constant 0 : i32
      %dma_wait3A_213 = arith.constant 0 : i32
      %dma_wait3A_214 = tpu.memref_slice %arg5[%dma_wait3A_212, %dma_wait3A_213] : memref<20x128xf32, #tpu.memory_space<vmem_shared>> -> memref<20x128xf32, #tpu.memory_space<vmem_shared>>
      tpu.wait_indirect_dma semaphore(%arg15 : memref<!tpu.dma_semaphore, #tpu.memory_space<semaphore_mem>>) src(%dma_wait3A_214 : memref<20x128xf32, #tpu.memory_space<vmem_shared>>) dst(%dma_wait3A_211 : memref<400x128xf32, #tpu.memory_space<vmem>>)
      %add3A_215 = arith.constant 128 : i32
      %add3A_216 = arith.addi %add3A, %add3A_215 : i32
      %mul3A_217 = arith.constant 400 : i32
      %mul3A_218 = arith.muli %add3A_216, %mul3A_217 : i32
      %dma_start3A_219 = arith.constant 0 : i32
      %dma_start3A_220 = arith.constant 0 : i32
      %dma_start3A_221 = arith.constant 0 : i32
      %dma_start3A_222 = tpu.memref_slice %arg6[%dma_start3A_219, %dma_start3A_220, %dma_start3A_221] : memref<2x400x128xf32, #tpu.memory_space<vmem>> -> memref<1x400x128xf32, #tpu.memory_space<vmem>>
      %dma_start3A_223 = tpu.memref_squeeze %dma_start3A_222 : memref<1x400x128xf32, #tpu.memory_space<vmem>> -> memref<400x128xf32, #tpu.memory_space<vmem>>
      %dma_start3A_224 = arith.constant 0 : i32
      %dma_start3A_225 = tpu.memref_slice %arg4[%mul3A_218, %dma_start3A_224] : memref<100000x128xf32, #tpu.memory_space<hbm>> -> memref<400x128xf32, #tpu.memory_space<hbm>>
      %dma_start3A_226 = arith.constant 0 : i32
      %dma_start3A_227 = tpu.memref_slice %arg4[%mul3A_218, %dma_start3A_226] : memref<100000x128xf32, #tpu.memory_space<hbm>> -> memref<400x128xf32, #tpu.memory_space<hbm>>
      %dma_start3A_228 = arith.constant 0 : i32
      %dma_start3A_229 = arith.constant 0 : i32
      %dma_start3A_230 = tpu.memref_slice %arg6[%dma_start3A_219, %dma_start3A_228, %dma_start3A_229] : memref<2x400x128xf32, #tpu.memory_space<vmem>> -> memref<1x400x128xf32, #tpu.memory_space<vmem>>
      %dma_start3A_231 = tpu.memref_squeeze %dma_start3A_230 : memref<1x400x128xf32, #tpu.memory_space<vmem>> -> memref<400x128xf32, #tpu.memory_space<vmem>>
      tpu.enqueue_dma source(%dma_start3A_231 : memref<400x128xf32, #tpu.memory_space<vmem>>) target(%dma_start3A_227 : memref<400x128xf32, #tpu.memory_space<hbm>>) target_semaphore(%arg16 : memref<!tpu.dma_semaphore, #tpu.memory_space<semaphore_mem>>)
    } else {
    }
    %add3A_149 = arith.constant 160 : i32
    %add3A_150 = arith.addi %add3A, %add3A_149 : i32
    %lt3A_151 = arith.constant 250 : i32
    %lt3A_152 = arith.cmpi slt, %add3A_150, %lt3A_151 : i32
    %convert_element_type3A_153 = arith.extui %lt3A_152 : i1 to i32
    %cond3A_154 = arith.constant 0 : i32
    %cond3A_155 = arith.cmpi ne, %convert_element_type3A_153, %cond3A_154 : i32
    scf.if %cond3A_155 {
      %add3A_184 = arith.constant 96 : i32
      %add3A_185 = arith.addi %add3A, %add3A_184 : i32
      %mul3A_186 = arith.constant 400 : i32
      %mul3A_187 = arith.muli %add3A_185, %mul3A_186 : i32
      %dma_wait3A = arith.constant 1 : i32
      %dma_wait3A_188 = arith.constant 0 : i32
      %dma_wait3A_189 = arith.constant 0 : i32
      %dma_wait3A_190 = tpu.memref_slice %arg6[%dma_wait3A, %dma_wait3A_188, %dma_wait3A_189] : memref<2x400x128xf32, #tpu.memory_space<vmem>> -> memref<1x400x128xf32, #tpu.memory_space<vmem>>
      %dma_wait3A_191 = tpu.memref_squeeze %dma_wait3A_190 : memref<1x400x128xf32, #tpu.memory_space<vmem>> -> memref<400x128xf32, #tpu.memory_space<vmem>>
      %dma_wait3A_192 = arith.constant 0 : i32
      %dma_wait3A_193 = tpu.memref_slice %arg4[%mul3A_187, %dma_wait3A_192] : memref<100000x128xf32, #tpu.memory_space<hbm>> -> memref<400x128xf32, #tpu.memory_space<hbm>>
      %dma_wait3A_194 = arith.constant 0 : i32
      %dma_wait3A_195 = tpu.memref_slice %arg4[%mul3A_187, %dma_wait3A_194] : memref<100000x128xf32, #tpu.memory_space<hbm>> -> memref<400x128xf32, #tpu.memory_space<hbm>>
      %dma_wait3A_196 = arith.constant 0 : i32
      %dma_wait3A_197 = arith.constant 0 : i32
      %dma_wait3A_198 = tpu.memref_slice %arg6[%dma_wait3A, %dma_wait3A_196, %dma_wait3A_197] : memref<2x400x128xf32, #tpu.memory_space<vmem>> -> memref<1x400x128xf32, #tpu.memory_space<vmem>>
      %dma_wait3A_199 = tpu.memref_squeeze %dma_wait3A_198 : memref<1x400x128xf32, #tpu.memory_space<vmem>> -> memref<400x128xf32, #tpu.memory_space<vmem>>
      tpu.wait_dma2 semaphore(%arg17 : memref<!tpu.dma_semaphore, #tpu.memory_space<semaphore_mem>>) src(%dma_wait3A_199 : memref<400x128xf32, #tpu.memory_space<vmem>>) dst(%dma_wait3A_195 : memref<400x128xf32, #tpu.memory_space<hbm>>)
      %dma_start3A = arith.constant 1 : i32
      %dma_start3A_200 = arith.constant 0 : i32
      %dma_start3A_201 = arith.constant 0 : i32
      %dma_start3A_202 = tpu.memref_slice %arg6[%dma_start3A, %dma_start3A_200, %dma_start3A_201] : memref<2x400x128xf32, #tpu.memory_space<vmem>> -> memref<1x400x128xf32, #tpu.memory_space<vmem>>
      %dma_start3A_203 = tpu.memref_squeeze %dma_start3A_202 : memref<1x400x128xf32, #tpu.memory_space<vmem>> -> memref<400x128xf32, #tpu.memory_space<vmem>>
      %dma_start3A_204 = arith.constant 0 : i32
      %dma_start3A_205 = arith.constant 0 : i32
      %dma_start3A_206 = tpu.memref_slice %arg5[%dma_start3A_204, %dma_start3A_205] : memref<20x128xf32, #tpu.memory_space<vmem_shared>> -> memref<20x128xf32, #tpu.memory_space<vmem_shared>>
      tpu.enqueue_indirect_dma source(%dma_start3A_206 : memref<20x128xf32, #tpu.memory_space<vmem_shared>>) target(%dma_start3A_203 : memref<400x128xf32, #tpu.memory_space<vmem>>) offsets(%arg12 : memref<400xi32, #tpu.memory_space<vmem>>) semaphore(%arg15 : memref<!tpu.dma_semaphore, #tpu.memory_space<semaphore_mem>>)
      %dma_wait3A_207 = arith.constant 1 : i32
      %dma_wait3A_208 = arith.constant 0 : i32
      %dma_wait3A_209 = arith.constant 0 : i32
      %dma_wait3A_210 = tpu.memref_slice %arg6[%dma_wait3A_207, %dma_wait3A_208, %dma_wait3A_209] : memref<2x400x128xf32, #tpu.memory_space<vmem>> -> memref<1x400x128xf32, #tpu.memory_space<vmem>>
      %dma_wait3A_211 = tpu.memref_squeeze %dma_wait3A_210 : memref<1x400x128xf32, #tpu.memory_space<vmem>> -> memref<400x128xf32, #tpu.memory_space<vmem>>
      %dma_wait3A_212 = arith.constant 0 : i32
      %dma_wait3A_213 = arith.constant 0 : i32
      %dma_wait3A_214 = tpu.memref_slice %arg5[%dma_wait3A_212, %dma_wait3A_213] : memref<20x128xf32, #tpu.memory_space<vmem_shared>> -> memref<20x128xf32, #tpu.memory_space<vmem_shared>>
      tpu.wait_indirect_dma semaphore(%arg15 : memref<!tpu.dma_semaphore, #tpu.memory_space<semaphore_mem>>) src(%dma_wait3A_214 : memref<20x128xf32, #tpu.memory_space<vmem_shared>>) dst(%dma_wait3A_211 : memref<400x128xf32, #tpu.memory_space<vmem>>)
      %add3A_215 = arith.constant 160 : i32
      %add3A_216 = arith.addi %add3A, %add3A_215 : i32
      %mul3A_217 = arith.constant 400 : i32
      %mul3A_218 = arith.muli %add3A_216, %mul3A_217 : i32
      %dma_start3A_219 = arith.constant 1 : i32
      %dma_start3A_220 = arith.constant 0 : i32
      %dma_start3A_221 = arith.constant 0 : i32
      %dma_start3A_222 = tpu.memref_slice %arg6[%dma_start3A_219, %dma_start3A_220, %dma_start3A_221] : memref<2x400x128xf32, #tpu.memory_space<vmem>> -> memref<1x400x128xf32, #tpu.memory_space<vmem>>
      %dma_start3A_223 = tpu.memref_squeeze %dma_start3A_222 : memref<1x400x128xf32, #tpu.memory_space<vmem>> -> memref<400x128xf32, #tpu.memory_space<vmem>>
      %dma_start3A_224 = arith.constant 0 : i32
      %dma_start3A_225 = tpu.memref_slice %arg4[%mul3A_218, %dma_start3A_224] : memref<100000x128xf32, #tpu.memory_space<hbm>> -> memref<400x128xf32, #tpu.memory_space<hbm>>
      %dma_start3A_226 = arith.constant 0 : i32
      %dma_start3A_227 = tpu.memref_slice %arg4[%mul3A_218, %dma_start3A_226] : memref<100000x128xf32, #tpu.memory_space<hbm>> -> memref<400x128xf32, #tpu.memory_space<hbm>>
      %dma_start3A_228 = arith.constant 0 : i32
      %dma_start3A_229 = arith.constant 0 : i32
      %dma_start3A_230 = tpu.memref_slice %arg6[%dma_start3A_219, %dma_start3A_228, %dma_start3A_229] : memref<2x400x128xf32, #tpu.memory_space<vmem>> -> memref<1x400x128xf32, #tpu.memory_space<vmem>>
      %dma_start3A_231 = tpu.memref_squeeze %dma_start3A_230 : memref<1x400x128xf32, #tpu.memory_space<vmem>> -> memref<400x128xf32, #tpu.memory_space<vmem>>
      tpu.enqueue_dma source(%dma_start3A_231 : memref<400x128xf32, #tpu.memory_space<vmem>>) target(%dma_start3A_227 : memref<400x128xf32, #tpu.memory_space<hbm>>) target_semaphore(%arg17 : memref<!tpu.dma_semaphore, #tpu.memory_space<semaphore_mem>>)
    } else {
    }
    %add3A_156 = arith.constant 192 : i32
    %add3A_157 = arith.addi %add3A, %add3A_156 : i32
    %lt3A_158 = arith.constant 250 : i32
    %lt3A_159 = arith.cmpi slt, %add3A_157, %lt3A_158 : i32
    %convert_element_type3A_160 = arith.extui %lt3A_159 : i1 to i32
    %cond3A_161 = arith.constant 0 : i32
    %cond3A_162 = arith.cmpi ne, %convert_element_type3A_160, %cond3A_161 : i32
    scf.if %cond3A_162 {
      %add3A_184 = arith.constant 128 : i32
      %add3A_185 = arith.addi %add3A, %add3A_184 : i32
      %mul3A_186 = arith.constant 400 : i32
      %mul3A_187 = arith.muli %add3A_185, %mul3A_186 : i32
      %dma_wait3A = arith.constant 0 : i32
      %dma_wait3A_188 = arith.constant 0 : i32
      %dma_wait3A_189 = arith.constant 0 : i32
      %dma_wait3A_190 = tpu.memref_slice %arg6[%dma_wait3A, %dma_wait3A_188, %dma_wait3A_189] : memref<2x400x128xf32, #tpu.memory_space<vmem>> -> memref<1x400x128xf32, #tpu.memory_space<vmem>>
      %dma_wait3A_191 = tpu.memref_squeeze %dma_wait3A_190 : memref<1x400x128xf32, #tpu.memory_space<vmem>> -> memref<400x128xf32, #tpu.memory_space<vmem>>
      %dma_wait3A_192 = arith.constant 0 : i32
      %dma_wait3A_193 = tpu.memref_slice %arg4[%mul3A_187, %dma_wait3A_192] : memref<100000x128xf32, #tpu.memory_space<hbm>> -> memref<400x128xf32, #tpu.memory_space<hbm>>
      %dma_wait3A_194 = arith.constant 0 : i32
      %dma_wait3A_195 = tpu.memref_slice %arg4[%mul3A_187, %dma_wait3A_194] : memref<100000x128xf32, #tpu.memory_space<hbm>> -> memref<400x128xf32, #tpu.memory_space<hbm>>
      %dma_wait3A_196 = arith.constant 0 : i32
      %dma_wait3A_197 = arith.constant 0 : i32
      %dma_wait3A_198 = tpu.memref_slice %arg6[%dma_wait3A, %dma_wait3A_196, %dma_wait3A_197] : memref<2x400x128xf32, #tpu.memory_space<vmem>> -> memref<1x400x128xf32, #tpu.memory_space<vmem>>
      %dma_wait3A_199 = tpu.memref_squeeze %dma_wait3A_198 : memref<1x400x128xf32, #tpu.memory_space<vmem>> -> memref<400x128xf32, #tpu.memory_space<vmem>>
      tpu.wait_dma2 semaphore(%arg16 : memref<!tpu.dma_semaphore, #tpu.memory_space<semaphore_mem>>) src(%dma_wait3A_199 : memref<400x128xf32, #tpu.memory_space<vmem>>) dst(%dma_wait3A_195 : memref<400x128xf32, #tpu.memory_space<hbm>>)
      %dma_start3A = arith.constant 0 : i32
      %dma_start3A_200 = arith.constant 0 : i32
      %dma_start3A_201 = arith.constant 0 : i32
      %dma_start3A_202 = tpu.memref_slice %arg6[%dma_start3A, %dma_start3A_200, %dma_start3A_201] : memref<2x400x128xf32, #tpu.memory_space<vmem>> -> memref<1x400x128xf32, #tpu.memory_space<vmem>>
      %dma_start3A_203 = tpu.memref_squeeze %dma_start3A_202 : memref<1x400x128xf32, #tpu.memory_space<vmem>> -> memref<400x128xf32, #tpu.memory_space<vmem>>
      %dma_start3A_204 = arith.constant 0 : i32
      %dma_start3A_205 = arith.constant 0 : i32
      %dma_start3A_206 = tpu.memref_slice %arg5[%dma_start3A_204, %dma_start3A_205] : memref<20x128xf32, #tpu.memory_space<vmem_shared>> -> memref<20x128xf32, #tpu.memory_space<vmem_shared>>
      tpu.enqueue_indirect_dma source(%dma_start3A_206 : memref<20x128xf32, #tpu.memory_space<vmem_shared>>) target(%dma_start3A_203 : memref<400x128xf32, #tpu.memory_space<vmem>>) offsets(%arg13 : memref<400xi32, #tpu.memory_space<vmem>>) semaphore(%arg15 : memref<!tpu.dma_semaphore, #tpu.memory_space<semaphore_mem>>)
      %dma_wait3A_207 = arith.constant 0 : i32
      %dma_wait3A_208 = arith.constant 0 : i32
      %dma_wait3A_209 = arith.constant 0 : i32
      %dma_wait3A_210 = tpu.memref_slice %arg6[%dma_wait3A_207, %dma_wait3A_208, %dma_wait3A_209] : memref<2x400x128xf32, #tpu.memory_space<vmem>> -> memref<1x400x128xf32, #tpu.memory_space<vmem>>
      %dma_wait3A_211 = tpu.memref_squeeze %dma_wait3A_210 : memref<1x400x128xf32, #tpu.memory_space<vmem>> -> memref<400x128xf32, #tpu.memory_space<vmem>>
      %dma_wait3A_212 = arith.constant 0 : i32
      %dma_wait3A_213 = arith.constant 0 : i32
      %dma_wait3A_214 = tpu.memref_slice %arg5[%dma_wait3A_212, %dma_wait3A_213] : memref<20x128xf32, #tpu.memory_space<vmem_shared>> -> memref<20x128xf32, #tpu.memory_space<vmem_shared>>
      tpu.wait_indirect_dma semaphore(%arg15 : memref<!tpu.dma_semaphore, #tpu.memory_space<semaphore_mem>>) src(%dma_wait3A_214 : memref<20x128xf32, #tpu.memory_space<vmem_shared>>) dst(%dma_wait3A_211 : memref<400x128xf32, #tpu.memory_space<vmem>>)
      %add3A_215 = arith.constant 192 : i32
      %add3A_216 = arith.addi %add3A, %add3A_215 : i32
      %mul3A_217 = arith.constant 400 : i32
      %mul3A_218 = arith.muli %add3A_216, %mul3A_217 : i32
      %dma_start3A_219 = arith.constant 0 : i32
      %dma_start3A_220 = arith.constant 0 : i32
      %dma_start3A_221 = arith.constant 0 : i32
      %dma_start3A_222 = tpu.memref_slice %arg6[%dma_start3A_219, %dma_start3A_220, %dma_start3A_221] : memref<2x400x128xf32, #tpu.memory_space<vmem>> -> memref<1x400x128xf32, #tpu.memory_space<vmem>>
      %dma_start3A_223 = tpu.memref_squeeze %dma_start3A_222 : memref<1x400x128xf32, #tpu.memory_space<vmem>> -> memref<400x128xf32, #tpu.memory_space<vmem>>
      %dma_start3A_224 = arith.constant 0 : i32
      %dma_start3A_225 = tpu.memref_slice %arg4[%mul3A_218, %dma_start3A_224] : memref<100000x128xf32, #tpu.memory_space<hbm>> -> memref<400x128xf32, #tpu.memory_space<hbm>>
      %dma_start3A_226 = arith.constant 0 : i32
      %dma_start3A_227 = tpu.memref_slice %arg4[%mul3A_218, %dma_start3A_226] : memref<100000x128xf32, #tpu.memory_space<hbm>> -> memref<400x128xf32, #tpu.memory_space<hbm>>
      %dma_start3A_228 = arith.constant 0 : i32
      %dma_start3A_229 = arith.constant 0 : i32
      %dma_start3A_230 = tpu.memref_slice %arg6[%dma_start3A_219, %dma_start3A_228, %dma_start3A_229] : memref<2x400x128xf32, #tpu.memory_space<vmem>> -> memref<1x400x128xf32, #tpu.memory_space<vmem>>
      %dma_start3A_231 = tpu.memref_squeeze %dma_start3A_230 : memref<1x400x128xf32, #tpu.memory_space<vmem>> -> memref<400x128xf32, #tpu.memory_space<vmem>>
      tpu.enqueue_dma source(%dma_start3A_231 : memref<400x128xf32, #tpu.memory_space<vmem>>) target(%dma_start3A_227 : memref<400x128xf32, #tpu.memory_space<hbm>>) target_semaphore(%arg16 : memref<!tpu.dma_semaphore, #tpu.memory_space<semaphore_mem>>)
    } else {
    }
    %add3A_163 = arith.constant 224 : i32
    %add3A_164 = arith.addi %add3A, %add3A_163 : i32
    %lt3A_165 = arith.constant 250 : i32
    %lt3A_166 = arith.cmpi slt, %add3A_164, %lt3A_165 : i32
    %convert_element_type3A_167 = arith.extui %lt3A_166 : i1 to i32
    %cond3A_168 = arith.constant 0 : i32
    %cond3A_169 = arith.cmpi ne, %convert_element_type3A_167, %cond3A_168 : i32
    scf.if %cond3A_169 {
      %add3A_184 = arith.constant 160 : i32
      %add3A_185 = arith.addi %add3A, %add3A_184 : i32
      %mul3A_186 = arith.constant 400 : i32
      %mul3A_187 = arith.muli %add3A_185, %mul3A_186 : i32
      %dma_wait3A = arith.constant 1 : i32
      %dma_wait3A_188 = arith.constant 0 : i32
      %dma_wait3A_189 = arith.constant 0 : i32
      %dma_wait3A_190 = tpu.memref_slice %arg6[%dma_wait3A, %dma_wait3A_188, %dma_wait3A_189] : memref<2x400x128xf32, #tpu.memory_space<vmem>> -> memref<1x400x128xf32, #tpu.memory_space<vmem>>
      %dma_wait3A_191 = tpu.memref_squeeze %dma_wait3A_190 : memref<1x400x128xf32, #tpu.memory_space<vmem>> -> memref<400x128xf32, #tpu.memory_space<vmem>>
      %dma_wait3A_192 = arith.constant 0 : i32
      %dma_wait3A_193 = tpu.memref_slice %arg4[%mul3A_187, %dma_wait3A_192] : memref<100000x128xf32, #tpu.memory_space<hbm>> -> memref<400x128xf32, #tpu.memory_space<hbm>>
      %dma_wait3A_194 = arith.constant 0 : i32
      %dma_wait3A_195 = tpu.memref_slice %arg4[%mul3A_187, %dma_wait3A_194] : memref<100000x128xf32, #tpu.memory_space<hbm>> -> memref<400x128xf32, #tpu.memory_space<hbm>>
      %dma_wait3A_196 = arith.constant 0 : i32
      %dma_wait3A_197 = arith.constant 0 : i32
      %dma_wait3A_198 = tpu.memref_slice %arg6[%dma_wait3A, %dma_wait3A_196, %dma_wait3A_197] : memref<2x400x128xf32, #tpu.memory_space<vmem>> -> memref<1x400x128xf32, #tpu.memory_space<vmem>>
      %dma_wait3A_199 = tpu.memref_squeeze %dma_wait3A_198 : memref<1x400x128xf32, #tpu.memory_space<vmem>> -> memref<400x128xf32, #tpu.memory_space<vmem>>
      tpu.wait_dma2 semaphore(%arg17 : memref<!tpu.dma_semaphore, #tpu.memory_space<semaphore_mem>>) src(%dma_wait3A_199 : memref<400x128xf32, #tpu.memory_space<vmem>>) dst(%dma_wait3A_195 : memref<400x128xf32, #tpu.memory_space<hbm>>)
      %dma_start3A = arith.constant 1 : i32
      %dma_start3A_200 = arith.constant 0 : i32
      %dma_start3A_201 = arith.constant 0 : i32
      %dma_start3A_202 = tpu.memref_slice %arg6[%dma_start3A, %dma_start3A_200, %dma_start3A_201] : memref<2x400x128xf32, #tpu.memory_space<vmem>> -> memref<1x400x128xf32, #tpu.memory_space<vmem>>
      %dma_start3A_203 = tpu.memref_squeeze %dma_start3A_202 : memref<1x400x128xf32, #tpu.memory_space<vmem>> -> memref<400x128xf32, #tpu.memory_space<vmem>>
      %dma_start3A_204 = arith.constant 0 : i32
      %dma_start3A_205 = arith.constant 0 : i32
      %dma_start3A_206 = tpu.memref_slice %arg5[%dma_start3A_204, %dma_start3A_205] : memref<20x128xf32, #tpu.memory_space<vmem_shared>> -> memref<20x128xf32, #tpu.memory_space<vmem_shared>>
      tpu.enqueue_indirect_dma source(%dma_start3A_206 : memref<20x128xf32, #tpu.memory_space<vmem_shared>>) target(%dma_start3A_203 : memref<400x128xf32, #tpu.memory_space<vmem>>) offsets(%arg14 : memref<400xi32, #tpu.memory_space<vmem>>) semaphore(%arg15 : memref<!tpu.dma_semaphore, #tpu.memory_space<semaphore_mem>>)
      %dma_wait3A_207 = arith.constant 1 : i32
      %dma_wait3A_208 = arith.constant 0 : i32
      %dma_wait3A_209 = arith.constant 0 : i32
      %dma_wait3A_210 = tpu.memref_slice %arg6[%dma_wait3A_207, %dma_wait3A_208, %dma_wait3A_209] : memref<2x400x128xf32, #tpu.memory_space<vmem>> -> memref<1x400x128xf32, #tpu.memory_space<vmem>>
      %dma_wait3A_211 = tpu.memref_squeeze %dma_wait3A_210 : memref<1x400x128xf32, #tpu.memory_space<vmem>> -> memref<400x128xf32, #tpu.memory_space<vmem>>
      %dma_wait3A_212 = arith.constant 0 : i32
      %dma_wait3A_213 = arith.constant 0 : i32
      %dma_wait3A_214 = tpu.memref_slice %arg5[%dma_wait3A_212, %dma_wait3A_213] : memref<20x128xf32, #tpu.memory_space<vmem_shared>> -> memref<20x128xf32, #tpu.memory_space<vmem_shared>>
      tpu.wait_indirect_dma semaphore(%arg15 : memref<!tpu.dma_semaphore, #tpu.memory_space<semaphore_mem>>) src(%dma_wait3A_214 : memref<20x128xf32, #tpu.memory_space<vmem_shared>>) dst(%dma_wait3A_211 : memref<400x128xf32, #tpu.memory_space<vmem>>)
      %add3A_215 = arith.constant 224 : i32
      %add3A_216 = arith.addi %add3A, %add3A_215 : i32
      %mul3A_217 = arith.constant 400 : i32
      %mul3A_218 = arith.muli %add3A_216, %mul3A_217 : i32
      %dma_start3A_219 = arith.constant 1 : i32
      %dma_start3A_220 = arith.constant 0 : i32
      %dma_start3A_221 = arith.constant 0 : i32
      %dma_start3A_222 = tpu.memref_slice %arg6[%dma_start3A_219, %dma_start3A_220, %dma_start3A_221] : memref<2x400x128xf32, #tpu.memory_space<vmem>> -> memref<1x400x128xf32, #tpu.memory_space<vmem>>
      %dma_start3A_223 = tpu.memref_squeeze %dma_start3A_222 : memref<1x400x128xf32, #tpu.memory_space<vmem>> -> memref<400x128xf32, #tpu.memory_space<vmem>>
      %dma_start3A_224 = arith.constant 0 : i32
      %dma_start3A_225 = tpu.memref_slice %arg4[%mul3A_218, %dma_start3A_224] : memref<100000x128xf32, #tpu.memory_space<hbm>> -> memref<400x128xf32, #tpu.memory_space<hbm>>
      %dma_start3A_226 = arith.constant 0 : i32
      %dma_start3A_227 = tpu.memref_slice %arg4[%mul3A_218, %dma_start3A_226] : memref<100000x128xf32, #tpu.memory_space<hbm>> -> memref<400x128xf32, #tpu.memory_space<hbm>>
      %dma_start3A_228 = arith.constant 0 : i32
      %dma_start3A_229 = arith.constant 0 : i32
      %dma_start3A_230 = tpu.memref_slice %arg6[%dma_start3A_219, %dma_start3A_228, %dma_start3A_229] : memref<2x400x128xf32, #tpu.memory_space<vmem>> -> memref<1x400x128xf32, #tpu.memory_space<vmem>>
      %dma_start3A_231 = tpu.memref_squeeze %dma_start3A_230 : memref<1x400x128xf32, #tpu.memory_space<vmem>> -> memref<400x128xf32, #tpu.memory_space<vmem>>
      tpu.enqueue_dma source(%dma_start3A_231 : memref<400x128xf32, #tpu.memory_space<vmem>>) target(%dma_start3A_227 : memref<400x128xf32, #tpu.memory_space<hbm>>) target_semaphore(%arg17 : memref<!tpu.dma_semaphore, #tpu.memory_space<semaphore_mem>>)
    } else {
    }
    %add3A_170 = arith.constant 192 : i32
    %add3A_171 = arith.addi %add3A, %add3A_170 : i32
    %lt3A_172 = arith.constant 250 : i32
    %lt3A_173 = arith.cmpi slt, %add3A_171, %lt3A_172 : i32
    %convert_element_type3A_174 = arith.extui %lt3A_173 : i1 to i32
    %cond3A_175 = arith.constant 0 : i32
    %cond3A_176 = arith.cmpi ne, %convert_element_type3A_174, %cond3A_175 : i32
    scf.if %cond3A_176 {
      %add3A_184 = arith.constant 192 : i32
      %add3A_185 = arith.addi %add3A, %add3A_184 : i32
      %mul3A_186 = arith.constant 400 : i32
      %mul3A_187 = arith.muli %add3A_185, %mul3A_186 : i32
      %dma_wait3A = arith.constant 0 : i32
      %dma_wait3A_188 = arith.constant 0 : i32
      %dma_wait3A_189 = arith.constant 0 : i32
      %dma_wait3A_190 = tpu.memref_slice %arg6[%dma_wait3A, %dma_wait3A_188, %dma_wait3A_189] : memref<2x400x128xf32, #tpu.memory_space<vmem>> -> memref<1x400x128xf32, #tpu.memory_space<vmem>>
      %dma_wait3A_191 = tpu.memref_squeeze %dma_wait3A_190 : memref<1x400x128xf32, #tpu.memory_space<vmem>> -> memref<400x128xf32, #tpu.memory_space<vmem>>
      %dma_wait3A_192 = arith.constant 0 : i32
      %dma_wait3A_193 = tpu.memref_slice %arg4[%mul3A_187, %dma_wait3A_192] : memref<100000x128xf32, #tpu.memory_space<hbm>> -> memref<400x128xf32, #tpu.memory_space<hbm>>
      %dma_wait3A_194 = arith.constant 0 : i32
      %dma_wait3A_195 = tpu.memref_slice %arg4[%mul3A_187, %dma_wait3A_194] : memref<100000x128xf32, #tpu.memory_space<hbm>> -> memref<400x128xf32, #tpu.memory_space<hbm>>
      %dma_wait3A_196 = arith.constant 0 : i32
      %dma_wait3A_197 = arith.constant 0 : i32
      %dma_wait3A_198 = tpu.memref_slice %arg6[%dma_wait3A, %dma_wait3A_196, %dma_wait3A_197] : memref<2x400x128xf32, #tpu.memory_space<vmem>> -> memref<1x400x128xf32, #tpu.memory_space<vmem>>
      %dma_wait3A_199 = tpu.memref_squeeze %dma_wait3A_198 : memref<1x400x128xf32, #tpu.memory_space<vmem>> -> memref<400x128xf32, #tpu.memory_space<vmem>>
      tpu.wait_dma2 semaphore(%arg16 : memref<!tpu.dma_semaphore, #tpu.memory_space<semaphore_mem>>) src(%dma_wait3A_199 : memref<400x128xf32, #tpu.memory_space<vmem>>) dst(%dma_wait3A_195 : memref<400x128xf32, #tpu.memory_space<hbm>>)
    } else {
    }
    %add3A_177 = arith.constant 224 : i32
    %add3A_178 = arith.addi %add3A, %add3A_177 : i32
    %lt3A_179 = arith.constant 250 : i32
    %lt3A_180 = arith.cmpi slt, %add3A_178, %lt3A_179 : i32
    %convert_element_type3A_181 = arith.extui %lt3A_180 : i1 to i32
    %cond3A_182 = arith.constant 0 : i32
    %cond3A_183 = arith.cmpi ne, %convert_element_type3A_181, %cond3A_182 : i32
    scf.if %cond3A_183 {
      %add3A_184 = arith.constant 224 : i32
      %add3A_185 = arith.addi %add3A, %add3A_184 : i32
      %mul3A_186 = arith.constant 400 : i32
      %mul3A_187 = arith.muli %add3A_185, %mul3A_186 : i32
      %dma_wait3A = arith.constant 1 : i32
      %dma_wait3A_188 = arith.constant 0 : i32
      %dma_wait3A_189 = arith.constant 0 : i32
      %dma_wait3A_190 = tpu.memref_slice %arg6[%dma_wait3A, %dma_wait3A_188, %dma_wait3A_189] : memref<2x400x128xf32, #tpu.memory_space<vmem>> -> memref<1x400x128xf32, #tpu.memory_space<vmem>>
      %dma_wait3A_191 = tpu.memref_squeeze %dma_wait3A_190 : memref<1x400x128xf32, #tpu.memory_space<vmem>> -> memref<400x128xf32, #tpu.memory_space<vmem>>
      %dma_wait3A_192 = arith.constant 0 : i32
      %dma_wait3A_193 = tpu.memref_slice %arg4[%mul3A_187, %dma_wait3A_192] : memref<100000x128xf32, #tpu.memory_space<hbm>> -> memref<400x128xf32, #tpu.memory_space<hbm>>
      %dma_wait3A_194 = arith.constant 0 : i32
      %dma_wait3A_195 = tpu.memref_slice %arg4[%mul3A_187, %dma_wait3A_194] : memref<100000x128xf32, #tpu.memory_space<hbm>> -> memref<400x128xf32, #tpu.memory_space<hbm>>
      %dma_wait3A_196 = arith.constant 0 : i32
      %dma_wait3A_197 = arith.constant 0 : i32
      %dma_wait3A_198 = tpu.memref_slice %arg6[%dma_wait3A, %dma_wait3A_196, %dma_wait3A_197] : memref<2x400x128xf32, #tpu.memory_space<vmem>> -> memref<1x400x128xf32, #tpu.memory_space<vmem>>
      %dma_wait3A_199 = tpu.memref_squeeze %dma_wait3A_198 : memref<1x400x128xf32, #tpu.memory_space<vmem>> -> memref<400x128xf32, #tpu.memory_space<vmem>>
      tpu.wait_dma2 semaphore(%arg17 : memref<!tpu.dma_semaphore, #tpu.memory_space<semaphore_mem>>) src(%dma_wait3A_199 : memref<400x128xf32, #tpu.memory_space<vmem>>) dst(%dma_wait3A_195 : memref<400x128xf32, #tpu.memory_space<hbm>>)
    } else {
    }
    return
  }
}

</mosaic_0001>

<sc_bundles>
// kernel: kernel.3.cloned.1.call-start
scs
__scs_entry_jumppad:
0x0: {  	(pc) =	sbr.rel $0x88, $3  }
0x1: {  	(tag) =	ssettag $0x0;
	lr =	simm.s32 $0x1  }
0x2: {  	[smem:$0x3F9F] =	sst lr;
	_ =	strace $0xD0000000  }
0x3: {  	_ = 	snop  }
0x4: {  	_ = 	snop  }
0x5: {  	_ = 	snop  }
0x6: {  	_ = 	snop  }
0x7: {  	_ = 	snop  }
__scs_overlays_trampoline_lowered:
0x8: {  	[smem:$0x3FAE] =	sst s0  }
0x9: {  	[smem:$0x3FAF] =	sst s1  }
0xa: {  	[smem:$0x3FB0] =	sst s2  }
0xb: {  	[smem:$0x3FB1] =	sst s3  }
0xc: {  	[smem:$0x3FB2] =	sst s4  }
0xd: {  	[smem:$0x3FB3] =	sst s5  }
0xe: {  	[smem:$0x3FB4] =	sst s6  }
0xf: {  	[smem:$0x3FB5] =	sst s7  }
0x10: {  	[smem:$0x3FB6] =	sst s8  }
0x11: {  	[smem:$0x3FB7] =	sst s9;
	s0 =	simm.s32 @!p0 $0x0  }
0x12: {  	s1 =	sld [smem:$0x3F9D];
	s0 =	simm.s32 @p0 $0x1  }
0x13: {  	[smem:$0x3FB8] =	sst s0;
	s0 =	simm.s32 @!p1 $0x0  }
0x14: {  	s2 =	sld [smem:$0x3F9C];
	s0 =	simm.s32 @p1 $0x1  }
0x15: {  	[smem:$0x3FB9] =	sst s0;
	s0 =	simm.s32 @!p2 $0x0  }
0x16: {  	s3 =	sld [smem:$0x3FDB];
	s0 =	simm.s32 @p2 $0x1  }
0x17: {  	s4 =	simm.s32 $0x1BF5;
	[smem:$0x3FBB] =	sst s0  }
0x18: {  	s0 =	sld [smem:$0x3F9E];
	_ =	swait.ge [sflag:s4], $0x0  }
0x19: {  	s7 =	sld [smem:$0x3F9F]  }
0x1a: {  	s8 =	sadd.s32 $0xFFFFE003, lr  }
0x1b: {  	s9 =	sadd.s32 $0xFFFFFEF7, lr;
	s5 =	simm.s32 $0xFFFFFFFF;
	p2 =	slt.u32 s8, $0xFFFFF086  }
0x1c: {  	p1 =	slt.u32 s9, $0xF7A;
	s5 =	simm.s32 @!p2 $0x0  }
0x1d: {  	s5 =	simm.s32 @p1 $0x1;
	p0 =	seq.s32 s7, s2  }
0x1e: {  	s7 =	smul.u32 @!p0 $0xF7A, s2;
	p2 =	seq.s32 @!p0 s5, $0x0  }
0x1f: {  	s9 =	smul.u32 $0xF7A, s1;
	s8 =	simm.s32 @!p0 $0x1BF5;
	p2 =	por !p2, p0  }
0x20: {  	[sflag:s8] =	ssyncset.s32 @!p0 $0xFFFFF086;
	s6 =	sadd.s32 @!p0 s3, s7;
	s7 =	simm.s32 @!p0 $0x108  }
0x21: {  	s3 =	sadd.s32 s3, s9;
	s6 =	sadd.s32 @!p0 $0x88, s6;
	s7 =	simm.s32 @p2 $0x1082  }
0x22: {  	[simem:s7], [sflag:s8] =	dma.local @!p0 [hbm:s6], $0xF7A  }
0x23: {  	s9 =	sor.u32 $0xD0000000, s2;
	s6 =	simm.s32 $0x108;
	_ =	swait.ge @!p0 [sflag:s8], $0x0  }
0x24: {  	s3 =	sadd.s32 $0x88, s3;
	s6 =	simm.s32 @!p1 $0x1082;
	[sflag:s4] =	ssyncset.s32 $0xFFFFF086  }
0x25: {  	[simem:s6], [sflag:s4] =	dma.local [hbm:s3], $0xF7A  }
0x26: {  	[smem:$0x3F9F] =	sst s1;
	(tag) =	ssettag s2;
	_ =	strace s9  }
0x27: {  	s1 =	sld [smem:$0x3FAF]  }
0x28: {  	s2 =	sld [smem:$0x3FB0]  }
0x29: {  	s4 =	sld [smem:$0x3FB2]  }
0x2a: {  	p0 =	seq.s32 s5, $0x0;
	s5 =	sld [smem:$0x3FB3]  }
0x2b: {  	s6 =	sld [smem:$0x3FB4]  }
0x2c: {  	s7 =	sld [smem:$0x3FB5]  }
0x2d: {  	s3 =	simm.s32 $0x108;
	s8 =	sld [smem:$0x3FB6]  }
0x2e: {  	s3 =	simm.s32 @!p0 $0x1082;
	s9 =	sld [smem:$0x3FB7]  }
0x2f: {  	lr =	sadd.s32 s0, s3;
	s0 =	sld [smem:$0x3FAE]  }
0x30: {  	s3 =	sld [smem:$0x3FB1]  }
0x31: {  	[smem:$0x3FBA] =	sst s10  }
0x32: {  	s10 =	sld [smem:$0x3FB8];
	_ =	sdelay $0x3  }
0x33: {  	p0 =	seq.s32 s10, $0x1;
	s10 =	sld [smem:$0x3FBA];
	_ =	sdelay $0x3  }
0x34: {  	[smem:$0x3FBA] =	sst s10  }
0x35: {  	s10 =	sld [smem:$0x3FB9];
	_ =	sdelay $0x3  }
0x36: {  	p1 =	seq.s32 s10, $0x1;
	s10 =	sld [smem:$0x3FBA];
	_ =	sdelay $0x3  }
0x37: {  	[smem:$0x3FBA] =	sst s10  }
0x38: {  	s10 =	sld [smem:$0x3FBB]  }
0x39: {  	_ = 	snop;
	(pc) =	sbr.ind lr, $3  }
0x3a: {  	_ = 	snop  }
0x3b: {  	_ = 	snop  }
0x3c: {  	p2 =	seq.s32 s10, $0x1;
	s10 =	sld [smem:$0x3FBA]  }
0x3d: {  	_ =	shalt  }
0x3e: {  	_ =	shalt  }
0x3f: {  	_ =	shalt  }
0x40: {  	_ =	shalt  }
0x41: {  	_ =	shalt  }
0x42: {  	_ =	shalt  }
0x43: {  	_ =	shalt  }
0x44: {  	_ =	shalt  }
0x45: {  	_ =	shalt  }
0x46: {  	_ =	shalt  }
0x47: {  	_ =	shalt  }
0x48: {  	_ =	shalt  }
0x49: {  	_ =	shalt  }
0x4a: {  	_ =	shalt  }
0x4b: {  	_ =	shalt  }
0x4c: {  	_ =	shalt  }
0x4d: {  	_ =	shalt  }
0x4e: {  	_ =	shalt  }
0x4f: {  	_ =	shalt  }
0x50: {  	_ =	shalt  }
0x51: {  	_ =	shalt  }
0x52: {  	_ =	shalt  }
0x53: {  	_ =	shalt  }
0x54: {  	_ =	shalt  }
0x55: {  	_ =	shalt  }
0x56: {  	_ =	shalt  }
0x57: {  	_ =	shalt  }
0x58: {  	_ =	shalt  }
0x59: {  	_ =	shalt  }
0x5a: {  	_ =	shalt  }
0x5b: {  	_ =	shalt  }
0x5c: {  	_ =	shalt  }
0x5d: {  	_ =	shalt  }
0x5e: {  	_ =	shalt  }
0x5f: {  	_ =	shalt  }
0x60: {  	_ =	shalt  }
0x61: {  	_ =	shalt  }
0x62: {  	_ =	shalt  }
0x63: {  	_ =	shalt  }
0x64: {  	_ =	shalt  }
0x65: {  	_ =	shalt  }
0x66: {  	_ =	shalt  }
0x67: {  	_ =	shalt  }
0x68: {  	_ =	shalt  }
0x69: {  	_ =	shalt  }
0x6a: {  	_ =	shalt  }
0x6b: {  	_ =	shalt  }
0x6c: {  	_ =	shalt  }
0x6d: {  	_ =	shalt  }
0x6e: {  	_ =	shalt  }
0x6f: {  	_ =	shalt  }
0x70: {  	_ =	shalt  }
0x71: {  	_ =	shalt  }
0x72: {  	_ =	shalt  }
0x73: {  	_ =	shalt  }
0x74: {  	_ =	shalt  }
0x75: {  	_ =	shalt  }
0x76: {  	_ =	shalt  }
0x77: {  	_ =	shalt  }
0x78: {  	_ =	shalt  }
0x79: {  	_ =	shalt  }
0x7a: {  	_ =	shalt  }
0x7b: {  	_ =	shalt  }
0x7c: {  	_ =	shalt  }
0x7d: {  	_ =	shalt  }
0x7e: {  	_ =	shalt  }
0x7f: {  	_ =	shalt  }
0x80: {  	_ =	shalt  }
0x81: {  	_ =	shalt  }
0x82: {  	_ =	shalt  }
0x83: {  	_ =	shalt  }
0x84: {  	_ =	shalt  }
0x85: {  	_ =	shalt  }
0x86: {  	_ =	shalt  }
0x87: {  	_ =	shalt  }
.Lfunc_end0:
.L_simem_size_0:
called_computation_lowered:
.L_overlay_start_0:
0x88: {  	s2 =	sld [smem:$0x3FD9]  }
0x89: {  	s3 =	sld [smem:$0x3FFE];
	_ =	sdelay $0x1  }
0x8a: {  	s1 =	srdreg.scid  }
0x8b: {  	s0 =	sand.u32 $0x1, s1  }
0x8c: {  	s18 =	sshll.u32 s0, $0xA;
	s2 =	sadd.s32 s3, s2  }
0x8d: {  	s2 =	sadd.s32 s2, s18  }
0x8e: {  	[smem:$0x3FC6] =	sst s2  }
0x8f: {  	_ = 	snop  }
0x90: {  	s2 =	sld [smem:$0x3FC9]  }
0x91: {  	s19 =	sld [smem:$0x3FC8]  }
0x92: {  	s4 =	sld [smem:$0x3FD0];
	(tm) =	ssettm $0x1  }
0x93: {  	s5 =	sld [smem:$0x3FFB];
	_ =	sdelay $0x3  }
0x94: {  	_ =	strace s5  }
0x95: {  	s5 =	sld [smem:$0x3FFC];
	_ =	sdelay $0x3  }
0x96: {  	_ =	strace s5  }
0x97: {  	s5 =	sld [smem:$0x3FFD];
	_ =	sdelay $0x3  }
0x98: {  	_ =	strace s5  }
0x99: {  	_ =	strace $0x8FFFFFFF  }
0x9a: {  	s20 =	sld [smem:$0x3FDB];
	_ =	sdelay $0x1  }
0x9b: {  	s6 =	simm.s32 $_scs_section_size  }
0x9c: {  	s7 =	simm.s32 $_size__tile_overlayer_lowered;
	s8 =	simm.s32 $_tile_overlayer_lowered  }
0x9d: {  	s23 =	simm.s32 $0x1BFF;
	s22 =	sshll.u32 s8, $0x1;
	s5 =	sadd.s32 s6, s20  }
0x9e: {  	s9 =	simm.s32 $0x0;
	s21 =	sshll.u32 s7, $0x1;
	s7 =	sadd.s32 s22, s5  }
0x9f: {  	[timem:s9], [sflag:s23] =	dma.local [hbm:s7], s21  }
0xa0: {  	_ =	swait.ge [sflag:s23], s21  }
0xa1: {  	s6 =	ssub.s32 $0x0, s21;
	[sflag:s23] =	ssyncset.done $0x0  }
0xa2: {  	[sflag:s23] =	ssyncadd.s32 s6;
	_ =	sdelay $0x1  }
0xa3: {  	s24 =	simm.s32 $0x1B8B  }
0xa4: {  	_ =	swait.ge [sflag:s24], $0x1  }
0xa5: {  	[sflag:s24] =	ssyncset.done $0x0  }
0xa6: {  	s25 =	simm.s32 $0x1B8E;
	[sflag:s24] =	ssyncadd.s32 $0xFFFFFFFF  }
0xa7: {  	s26 =	simm.s32 $execute0_lowered;
	[smem:$0x3FD2] =	sst s25  }
0xa8: {  	s6 =	sshll.u32 s26, $0x1;
	_ =	strace $0x80000046;
	[dreg:$0x1] =	wrdreg $0xFFFFFFFF  }
0xa9: {  	s28 =	simm.s32 $_size_execute0_lowered;
	s5 =	sadd.s32 s5, s6;
	[dreg:$0x0] =	wrdreg $0x0  }
0xaa: {  	s6 =	sshll.u32 s28, $0x1;
	[dreg:$0x2] =	wrdreg s5  }
0xab: {  	[dreg:$0x3] =	wrdreg s6  }
0xac: {  	[dreg:$0x4] =	wrdreg $0xC0  }
0xad: {  	_ =	task [dreg:s9], $0x5FFFF  }
0xae: {  	[dreg:$0x1] =	wrdreg $0xFFFFFFFF  }
0xaf: {  	[dreg:$0x0] =	wrdreg $0x60  }
0xb0: {  	[dreg:$0x2] =	wrdreg s2  }
0xb1: {  	[dreg:$0x3] =	wrdreg s19  }
0xb2: {  	[dreg:$0x4] =	wrdreg s4  }
0xb3: {  	[dreg:$0x5] =	wrdreg $0x0  }
0xb4: {  	[dreg:$0x6] =	wrdreg $0x9  }
0xb5: {  	_ =	task.clear_ibuf [dreg:s9], $0x7FFFF;
	_ =	strace $0x90000046  }
0xb6: {  	s29 =	simm.s32 $0x9;
	_ =	strace $0x80000048  }
0xb7: {  	_ =	swait.ge [sflag:s29], $0x1  }
0xb8: {  	[sflag:s29] =	ssyncadd.s32 $0xFFFFFFFF  }
0xb9: {  	_ =	strace $0x90000048  }
0xba: {  	_ =	sfence  }
0xbb: {  	s30 =	sld [smem:$0x0];
	_ =	sdelay $0x2  }
0xbc: {  	s31 =	sshll.u32 s1, $0xD;
	s1 =	sshrl.u32 s1, $0x2  }
0xbd: {  	s3 =	sand.u32 $0x4000, s31;
	s1 =	sadd.s32 s1, s30  }
0xbe: {  	s0 =	sor.u32 s3, s0;
	s1 =	sshll.u32 s1, $0x11  }
0xbf: {  	s0 =	sor.u32 s1, s0  }
0xc0: {  	s0 =	sadd.s32 $0x8F2B, s0  }
0xc1: {  	[sflag:s0] =	ssyncadd.remote.s32 $0x1  }
0xc2: {  	_ =	sfence.sel $0xFFFF  }
0xc3: {  	[dreg:$0x0] =	wrdreg $0xFFFFFFFF;
	(pc) =	sbr.abs _section_cstart, $3  }
0xc4: {  	[dreg:$0x1] =	wrdreg $0xFFFFFFFF  }
0xc5: {  	_ =	task.clear_ibuf [dreg:s9], $0x2FFFF;
	_ =	strace $0x9FFFFFFF  }
0xc6: {  	(tm) =	ssettm $0x7FFFFFFF  }
0xc7: {  	_ =	shalt  }
tec
execute0_lowered:
.L_overlay_start_1:
0x0: {  	(tag) =	ssettag $0x1  }
0x1: {  	s0 =	rddreg [dreg:$0x1];
	s2 =	srdreg.scid  }
0x2: {  	[dreg:$0x5] =	wrdreg s0;
	s0 =	stileid.u32  }
0x3: {  	s5 =	sand.u32 $0x1, s2;
	s6 =	sshll.u32 s0, $0x1  }
0x4: {  	s6 =	sor.u32 s5, s6  }
0x5: {  	s7 =	smul.u32 $0x32, s6;
	s8 =	sor.u32 $0x20, s6;
	s24 =	sor.u32 $0x40, s6  }
0x6: {  	s12 =	sor.u32 $0x60, s6;
	s13 =	sor.u32 $0x80, s6;
	s15 =	sor.u32 $0xA0, s6  }
0x7: {  	s16 =	sor.u32 $0xC0, s6;
	s18 =	sor.u32 $0xE0, s6;
	s6 =	smul.u32 $0x1900, s6  }
0x8: {  	s9 =	smul.u32 $0x32, s8  }
0x9: {  	s4 =	rddreg [dreg:$0x0];
	s11 =	smul.u32 $0x32, s24  }
0xa: {  	s3 =	rddreg [dreg:$0x2];
	s25 =	smul.u32 $0x32, s12  }
0xb: {  	s1 =	rddreg [dreg:$0x3];
	s14 =	smul.u32 $0x32, s13  }
0xc: {  	s22 =	rddreg [dreg:$0x4];
	s2 =	simm.s32 $0x0;
	s26 =	smul.u32 $0x32, s15  }
0xd: {  	p2 =	por $0x0, $0x0;
	[smem:$0x7FF] =	sst s2;
	s17 =	smul.u32 $0x32, s16  }
0xe: {  	p0 =	sne.s32 s0, $0x0;
	p1 =	sgt.u32 s0, $0xC;
	s30 =	smul.u32 $0x32, s18  }
0xf: {  	_ =	strace $0x80000047;
	s5 =	ssub.s32 $0x2, s5;
	s8 =	smul.u32 $0x1900, s8  }
0x10: {  	s10 =	sshrl.u32 s5, $0x1;
	s29 =	rddreg [dreg:$0x5];
	s20 =	smul.u32 $0x1900, s13  }
0x11: {  	s23 =	smul.u32 $0x1900, s15;
	s15 =	simm.s32 $0x198A0;
	s7 =	sadd.s32 s4, s7  }
0x12: {  	s13 =	simm.s32 $0x19AA0;
	[dreg:$0x6] =	wrdreg s7;
	s9 =	sadd.s32 s4, s9  }
0x13: {  	s11 =	sadd.s32 s4, s11;
	s28 =	sadd.s32 s4, s14;
	s31 =	sadd.s32 s4, s26  }
0x14: {  	s7 =	smul.u32 $0x1900, s24;
	s14 =	sadd.s32 s3, s6;
	[dreg:$0x7] =	wrdreg s9  }
0x15: {  	s19 =	sadd.s32 s3, s8;
	s26 =	sadd.s32 s3, s20;
	[dreg:$0x8] =	wrdreg s11  }
0x16: {  	s6 =	simm.s32 $0xA0;
	s8 =	simm.s32 $0x1;
	[dreg:$0xa] =	wrdreg s28  }
0x17: {  	s20 =	sshrl.u32 @!p0 s1, $0x3;
	s9 =	sadd.s32 s4, s25;
	[dreg:$0xb] =	wrdreg s31  }
0x18: {  	s11 =	sadd.s32 s4, s17;
	s17 =	smul.u32 $0x1900, s12;
	[dreg:$0xe] =	wrdreg s14  }
0x19: {  	s4 =	sadd.s32 s4, s30;
	[dreg:$0xf] =	wrdreg s19;
	s25 =	smul.u32 $0x1900, s16  }
0x1a: {  	s28 =	smul.u32 $0x1900, s18;
	s30 =	ssub.s32 s5, s10;
	[dreg:$0x12] =	wrdreg s26  }
0x1b: {  	s26 =	simm.s32 $0x190A0;
	s21 =	sadd.s32 s3, s7;
	s31 =	smax.u32 s30, $0x1  }
0x1c: {  	s18 =	simm.s32 $0x192A0;
	[dreg:$0x10] =	wrdreg s21;
	s21 =	sadd.s32 $0xFFFFFFFF, s31  }
0x1d: {  	s16 =	simm.s32 $0x196A0;
	s10 =	simm.s32 $0x19CA0;
	p3 =	sne.s32 s21, $0x0  }
.Ltmp0:
0x1e: {  	s19 =	simm.s32 $0x4;
	[dreg:$0x9] =	wrdreg s9;
	(pc) =	sbr.rel @!p3 .LBB2_1-.Ltmp0, $4  }
0x1f: {  	s12 =	simm.s32 $0xC8A0;
	s14 =	simm.s32 $0x3;
	[dreg:$0xc] =	wrdreg s11  }
0x20: {  	[dreg:$0xd] =	wrdreg s4;
	s7 =	sadd.s32 s3, s23;
	s9 =	simm.s32 $0x190  }
0x21: {  	s11 =	simm.s32 $0x2;
	s24 =	sadd.s32 s3, s17;
	s5 =	sadd.s32 s3, s25  }
0x22: {  	s3 =	sadd.s32 s3, s28;
	s17 =	simm.s32 $0x194A0;
	[dreg:$0x11] =	wrdreg s24  }
0x23: {  	s0 =	simm.s32 @!p0 $0x1C05;
	s22 =	simm.s32 @!p0 $0x5  }
0x24: {  	[spmem:s20], [sflag:s0] =	dma.local @!p0 [hbm:s29], $0x140  }
0x25: {  	_ =	swait.ge @!p0 [sflag:s22], $0x140  }
0x26: {  	[sflag:s22] =	ssyncset.done @!p0 $0x0  }
0x27: {  	[sflag:s22] =	ssyncadd.s32 @!p0 $0xFFFFFEC0  }
0x28: {  	[bflag:$0x0] =	sbarrier.arrive $0xFFFF  }
0x29: {  	s24 =	rddreg [dreg:$0x6]  }
0x2a: {  	[tilespmem:s26], [sflag:$0x4] =	stream.linear.gather [hbm4b:s24+s2], $0x190, $0x38;
	[tilespmem:$0x1A0A0] =	vst v63  }
0x2b: {  	s23 =	rddreg [dreg:$0x7]  }
0x2c: {  	[tilespmem:s18], [sflag:$0x4] =	stream.linear.gather [hbm4b:s23+s2], $0x190, $0x38;
	[tilespmem:$0x1A0A0] =	vst v63  }
0x2d: {  	s25 =	rddreg [dreg:$0x8]  }
0x2e: {  	[tilespmem:s17], [sflag:$0x4] =	stream.linear.gather [hbm4b:s25+s2], $0x190, $0x38;
	[tilespmem:$0x1A0A0] =	vst v63  }
0x2f: {  	s4 =	rddreg [dreg:$0x9]  }
0x30: {  	[tilespmem:s16], [sflag:$0x4] =	stream.linear.gather [hbm4b:s4+s2], $0x190, $0x38;
	[tilespmem:$0x1A0A0] =	vst v63  }
0x31: {  	s24 =	rddreg [dreg:$0xa]  }
0x32: {  	[tilespmem:s15], [sflag:$0x4] =	stream.linear.gather [hbm4b:s24+s2], $0x190, $0x38;
	[tilespmem:$0x1A0A0] =	vst v63  }
0x33: {  	s25 =	rddreg [dreg:$0xb]  }
0x34: {  	[tilespmem:s13], [sflag:$0x4] =	stream.linear.gather [hbm4b:s25+s2], $0x190, $0x38;
	[tilespmem:$0x1A0A0] =	vst v63  }
0x35: {  	s4 =	rddreg [dreg:$0xc]  }
0x36: {  	[tilespmem:s10], [sflag:$0x4] =	stream.linear.gather [hbm4b:s4+s2], $0x190, $0x38;
	[tilespmem:$0x1A0A0] =	vst v63  }
0x37: {  	s23 =	simm.s32 @!p1 $0x19EA0;
	s25 =	rddreg [dreg:$0xd];
	s4 =	simm.s32 @!p1 $0x0  }
0x38: {  	[tilespmem:s23], [sflag:$0x4] =	stream.linear.gather @!p1 [hbm4b:s25+s4], $0x190, $0x38;
	[tilespmem:$0x1A0A0] =	vst v63  }
0x39: {  	_ =	swait.ge [sflag:s19], $0x190  }
0x3a: {  	[sflag:s19] =	ssyncset.done $0x0  }
0x3b: {  	[sflag:s19] =	ssyncadd.s32 $0xFFFFFE70  }
0x3c: {  	_ =	swait.ge [sflag:s19], $0x190  }
0x3d: {  	[sflag:s19] =	ssyncset.done $0x0  }
0x3e: {  	[sflag:s19] =	ssyncadd.s32 $0xFFFFFE70  }
0x3f: {  	_ =	swait.ge [sflag:s19], $0x190  }
0x40: {  	[sflag:s19] =	ssyncset.done $0x0  }
0x41: {  	[sflag:s19] =	ssyncadd.s32 $0xFFFFFE70  }
0x42: {  	_ =	swait.ge [sflag:s19], $0x190  }
0x43: {  	[sflag:s19] =	ssyncset.done $0x0  }
0x44: {  	[sflag:s19] =	ssyncadd.s32 $0xFFFFFE70  }
0x45: {  	_ =	swait.ge [sflag:s19], $0x190  }
0x46: {  	[sflag:s19] =	ssyncset.done $0x0  }
0x47: {  	[sflag:s19] =	ssyncadd.s32 $0xFFFFFE70  }
0x48: {  	_ =	swait.ge [sflag:s19], $0x190  }
0x49: {  	[sflag:s19] =	ssyncset.done $0x0  }
0x4a: {  	[sflag:s19] =	ssyncadd.s32 $0xFFFFFE70  }
0x4b: {  	_ =	swait.ge [sflag:s19], $0x190  }
0x4c: {  	[sflag:s19] =	ssyncset.done $0x0  }
0x4d: {  	s25 =	simm.s32 @!p1 $0x4;
	[sflag:s19] =	ssyncadd.s32 $0xFFFFFE70  }
0x4e: {  	_ =	swait.ge @!p1 [sflag:s25], $0x190  }
0x4f: {  	[sflag:s25] =	ssyncset.done @!p1 $0x0  }
0x50: {  	[sflag:s25] =	ssyncadd.s32 @!p1 $0xFFFFFE70  }
0x51: {  	[tilespmem:s6], [sflag:$0x1] =	stream.indirect.gather [spmem:s1], $0x80, s26, s9, $0xb8;
	[tilespmem:$0x1A0A0] =	vst v63  }
0x52: {  	_ =	swait.ge [sflag:s8], $0xC800  }
0x53: {  	[sflag:s8] =	ssyncset.done $0x0  }
0x54: {  	s24 =	rddreg [dreg:$0xe];
	[sflag:s8] =	ssyncadd.s32 $0xFFFF3800  }
0x55: {  	[hbm4b:s24+s2] =	stream.linear.scatter [tilespmem:s6], [sflag:$0x2], $0xC800, $0x38;
	[tilespmem:$0x1A0A0] =	vst v63  }
0x56: {  	_ = 	snop  }
0x57: {  	[tilespmem:s12], [sflag:$0x1] =	stream.indirect.gather [spmem:s1], $0x80, s18, s9, $0xb8;
	[tilespmem:$0x1A0A0] =	vst v63  }
0x58: {  	_ =	swait.ge [sflag:s8], $0xC800  }
0x59: {  	[sflag:s8] =	ssyncset.done $0x0  }
0x5a: {  	s26 =	rddreg [dreg:$0xf];
	[sflag:s8] =	ssyncadd.s32 $0xFFFF3800  }
0x5b: {  	[hbm4b:s26+s2] =	stream.linear.scatter [tilespmem:s12], [sflag:$0x3], $0xC800, $0x38;
	[tilespmem:$0x1A0A0] =	vst v63  }
0x5c: {  	_ =	swait.ge [sflag:s11], $0xC800  }
0x5d: {  	[sflag:s11] =	ssyncset.done $0x0  }
0x5e: {  	[sflag:s11] =	ssyncadd.s32 $0xFFFF3800  }
0x5f: {  	[tilespmem:s6], [sflag:$0x1] =	stream.indirect.gather [spmem:s1], $0x80, s17, s9, $0xb8;
	[tilespmem:$0x1A0A0] =	vst v63  }
0x60: {  	_ =	swait.ge [sflag:s8], $0xC800  }
0x61: {  	[sflag:s8] =	ssyncset.done $0x0  }
0x62: {  	s18 =	rddreg [dreg:$0x10];
	[sflag:s8] =	ssyncadd.s32 $0xFFFF3800  }
0x63: {  	[hbm4b:s18+s2] =	stream.linear.scatter [tilespmem:s6], [sflag:$0x2], $0xC800, $0x38;
	[tilespmem:$0x1A0A0] =	vst v63  }
0x64: {  	_ =	swait.ge [sflag:s14], $0xC800  }
0x65: {  	[sflag:s14] =	ssyncset.done $0x0  }
0x66: {  	[sflag:s14] =	ssyncadd.s32 $0xFFFF3800  }
0x67: {  	[tilespmem:s12], [sflag:$0x1] =	stream.indirect.gather [spmem:s1], $0x80, s16, s9, $0xb8;
	[tilespmem:$0x1A0A0] =	vst v63  }
0x68: {  	_ =	swait.ge [sflag:s8], $0xC800  }
0x69: {  	[sflag:s8] =	ssyncset.done $0x0  }
0x6a: {  	s24 =	rddreg [dreg:$0x11];
	[sflag:s8] =	ssyncadd.s32 $0xFFFF3800  }
0x6b: {  	[hbm4b:s24+s2] =	stream.linear.scatter [tilespmem:s12], [sflag:$0x3], $0xC800, $0x38;
	[tilespmem:$0x1A0A0] =	vst v63  }
0x6c: {  	_ =	swait.ge [sflag:s11], $0xC800  }
0x6d: {  	[sflag:s11] =	ssyncset.done $0x0  }
0x6e: {  	[sflag:s11] =	ssyncadd.s32 $0xFFFF3800  }
0x6f: {  	[tilespmem:s6], [sflag:$0x1] =	stream.indirect.gather [spmem:s1], $0x80, s15, s9, $0xb8;
	[tilespmem:$0x1A0A0] =	vst v63  }
0x70: {  	_ =	swait.ge [sflag:s8], $0xC800  }
0x71: {  	[sflag:s8] =	ssyncset.done $0x0  }
0x72: {  	s26 =	rddreg [dreg:$0x12];
	[sflag:s8] =	ssyncadd.s32 $0xFFFF3800  }
0x73: {  	[hbm4b:s26+s2] =	stream.linear.scatter [tilespmem:s6], [sflag:$0x2], $0xC800, $0x38;
	[tilespmem:$0x1A0A0] =	vst v63  }
0x74: {  	_ =	swait.ge [sflag:s14], $0xC800  }
0x75: {  	[sflag:s14] =	ssyncset.done $0x0  }
0x76: {  	[sflag:s14] =	ssyncadd.s32 $0xFFFF3800  }
0x77: {  	[tilespmem:s12], [sflag:$0x1] =	stream.indirect.gather [spmem:s1], $0x80, s13, s9, $0xb8;
	[tilespmem:$0x1A0A0] =	vst v63  }
0x78: {  	_ =	swait.ge [sflag:s8], $0xC800  }
0x79: {  	[sflag:s8] =	ssyncset.done $0x0  }
0x7a: {  	[sflag:s8] =	ssyncadd.s32 $0xFFFF3800  }
0x7b: {  	[hbm4b:s7+s2] =	stream.linear.scatter [tilespmem:s12], [sflag:$0x3], $0xC800, $0x38;
	[tilespmem:$0x1A0A0] =	vst v63  }
0x7c: {  	_ =	swait.ge [sflag:s11], $0xC800  }
0x7d: {  	[sflag:s11] =	ssyncset.done $0x0  }
0x7e: {  	[sflag:s11] =	ssyncadd.s32 $0xFFFF3800  }
0x7f: {  	[tilespmem:s6], [sflag:$0x1] =	stream.indirect.gather [spmem:s1], $0x80, s10, s9, $0xb8;
	[tilespmem:$0x1A0A0] =	vst v63  }
0x80: {  	_ =	swait.ge [sflag:s8], $0xC800  }
0x81: {  	[sflag:s8] =	ssyncset.done $0x0  }
0x82: {  	s26 =	simm.s32 @!p1 $0x3;
	[dreg:$0x13] =	wrdreg s20;
	[sflag:s8] =	ssyncadd.s32 $0xFFFF3800  }
0x83: {  	[hbm4b:s5+s2] =	stream.linear.scatter [tilespmem:s6], [sflag:$0x2], $0xC800, $0x38;
	[tilespmem:$0x1A0A0] =	vst v63  }
0x84: {  	_ =	swait.ge @!p1 [sflag:s26], $0xC800  }
0x85: {  	s28 =	simm.s32 @!p1 $0x1;
	[sflag:s26] =	ssyncset.done @!p1 $0x0  }
0x86: {  	s30 =	simm.s32 @!p1 $0xC8A0;
	s0 =	simm.s32 @!p1 $0x190;
	[sflag:s26] =	ssyncadd.s32 @!p1 $0xFFFF3800  }
0x87: {  	[tilespmem:s30], [sflag:$0x1] =	stream.indirect.gather @!p1 [spmem:s1], $0x80, s23, s0, $0xb8;
	[tilespmem:$0x1A0A0] =	vst v63  }
0x88: {  	s31 =	simm.s32 @!p1 $0x3;
	_ =	swait.ge @!p1 [sflag:s28], $0xC800  }
0x89: {  	s21 =	sadd.s32 $0xFFFFFFFF, s21;
	p2 =	por $0x1, $0x1;
	[sflag:s28] =	ssyncset.done @!p1 $0x0  }
0x8a: {  	p3 =	sne.s32 s21, $0x0;
	s0 =	simm.s32 @!p1 $0x2;
	[sflag:s28] =	ssyncadd.s32 @!p1 $0xFFFF3800  }
0x8b: {  	[hbm4b:s3+s4] =	stream.linear.scatter @!p1 [tilespmem:s30], [sflag:$0x3], $0xC800, $0x38;
	[tilespmem:$0x1A0A0] =	vst v63  }
.Ltmp1:
0x8c: {  	s31 =	simm.s32 @p1 $0x2;
	_ =	swait.ge @!p1 [sflag:s0], $0xC800;
	(pc) =	sbr.rel @!p3 .LBB2_3-.Ltmp1, $4  }
0x8d: {  	s17 =	simm.s32 $0x194A0;
	s18 =	simm.s32 $0x192A0;
	[sflag:s0] =	ssyncset.done @!p1 $0x0  }
0x8e: {  	s16 =	simm.s32 $0x196A0;
	s15 =	simm.s32 $0x198A0;
	[sflag:s0] =	ssyncadd.s32 @!p1 $0xFFFF3800  }
0x8f: {  	s13 =	simm.s32 $0x19AA0;
	s10 =	simm.s32 $0x19CA0;
	_ =	swait.ge [sflag:s31], $0xC800  }
0x90: {  	s20 =	simm.s32 $0x190A0;
	s29 =	rddreg [dreg:$0x5];
	[sflag:s31] =	ssyncset.done $0x0  }
.LBB2_4:
0x91: {  	[sflag:s31] =	ssyncadd.s32 $0xFFFF3800;
	s4 =	simm.s32 @!p0 $0x1C05;
	s23 =	rddreg [dreg:$0x13]  }
0x92: {  	[spmem:s23], [sflag:s4] =	dma.local @!p0 [hbm:s29], $0x140  }
0x93: {  	_ =	swait.ge @!p0 [sflag:s22], $0x140  }
0x94: {  	[sflag:s22] =	ssyncset.done @!p0 $0x0  }
0x95: {  	[sflag:s22] =	ssyncadd.s32 @!p0 $0xFFFFFEC0  }
0x96: {  	[bflag:$0x0] =	sbarrier.arrive $0xFFFF  }
0x97: {  	s29 =	rddreg [dreg:$0x6]  }
0x98: {  	[tilespmem:s20], [sflag:$0x4] =	stream.linear.gather [hbm4b:s29+s2], $0x190, $0x38;
	[tilespmem:$0x1A0A0] =	vst v63  }
0x99: {  	s23 =	rddreg [dreg:$0x7]  }
0x9a: {  	[tilespmem:s18], [sflag:$0x4] =	stream.linear.gather [hbm4b:s23+s2], $0x190, $0x38;
	[tilespmem:$0x1A0A0] =	vst v63  }
0x9b: {  	s29 =	rddreg [dreg:$0x8]  }
0x9c: {  	[tilespmem:s17], [sflag:$0x4] =	stream.linear.gather [hbm4b:s29+s2], $0x190, $0x38;
	[tilespmem:$0x1A0A0] =	vst v63  }
0x9d: {  	s24 =	rddreg [dreg:$0x9]  }
0x9e: {  	[tilespmem:s16], [sflag:$0x4] =	stream.linear.gather [hbm4b:s24+s2], $0x190, $0x38;
	[tilespmem:$0x1A0A0] =	vst v63  }
0x9f: {  	s29 =	rddreg [dreg:$0xa]  }
0xa0: {  	[tilespmem:s15], [sflag:$0x4] =	stream.linear.gather [hbm4b:s29+s2], $0x190, $0x38;
	[tilespmem:$0x1A0A0] =	vst v63  }
0xa1: {  	s23 =	rddreg [dreg:$0xb]  }
0xa2: {  	[tilespmem:s13], [sflag:$0x4] =	stream.linear.gather [hbm4b:s23+s2], $0x190, $0x38;
	[tilespmem:$0x1A0A0] =	vst v63  }
0xa3: {  	s4 =	smov.u32 s3;
	s29 =	rddreg [dreg:$0xc]  }
0xa4: {  	[tilespmem:s10], [sflag:$0x4] =	stream.linear.gather [hbm4b:s29+s2], $0x190, $0x38;
	[tilespmem:$0x1A0A0] =	vst v63  }
0xa5: {  	s3 =	rddreg [dreg:$0xd];
	s23 =	simm.s32 @!p1 $0x19EA0;
	s29 =	simm.s32 @!p1 $0x0  }
0xa6: {  	[tilespmem:s23], [sflag:$0x4] =	stream.linear.gather @!p1 [hbm4b:s3+s29], $0x190, $0x38;
	[tilespmem:$0x1A0A0] =	vst v63  }
0xa7: {  	_ =	swait.ge [sflag:s19], $0x190  }
0xa8: {  	[sflag:s19] =	ssyncset.done $0x0  }
0xa9: {  	[sflag:s19] =	ssyncadd.s32 $0xFFFFFE70  }
0xaa: {  	_ =	swait.ge [sflag:s19], $0x190  }
0xab: {  	[sflag:s19] =	ssyncset.done $0x0  }
0xac: {  	[sflag:s19] =	ssyncadd.s32 $0xFFFFFE70  }
0xad: {  	_ =	swait.ge [sflag:s19], $0x190  }
0xae: {  	[sflag:s19] =	ssyncset.done $0x0  }
0xaf: {  	[sflag:s19] =	ssyncadd.s32 $0xFFFFFE70  }
0xb0: {  	_ =	swait.ge [sflag:s19], $0x190  }
0xb1: {  	[sflag:s19] =	ssyncset.done $0x0  }
0xb2: {  	[sflag:s19] =	ssyncadd.s32 $0xFFFFFE70  }
0xb3: {  	_ =	swait.ge [sflag:s19], $0x190  }
0xb4: {  	[sflag:s19] =	ssyncset.done $0x0  }
0xb5: {  	[sflag:s19] =	ssyncadd.s32 $0xFFFFFE70  }
0xb6: {  	_ =	swait.ge [sflag:s19], $0x190  }
0xb7: {  	[sflag:s19] =	ssyncset.done $0x0  }
0xb8: {  	[sflag:s19] =	ssyncadd.s32 $0xFFFFFE70  }
0xb9: {  	_ =	swait.ge [sflag:s19], $0x190  }
0xba: {  	[sflag:s19] =	ssyncset.done $0x0  }
0xbb: {  	[sflag:s19] =	ssyncadd.s32 $0xFFFFFE70  }
0xbc: {  	_ =	swait.ge @!p1 [sflag:s25], $0x190  }
0xbd: {  	[sflag:s25] =	ssyncset.done @!p1 $0x0  }
0xbe: {  	[sflag:s25] =	ssyncadd.s32 @!p1 $0xFFFFFE70  }
0xbf: {  	[tilespmem:s6], [sflag:$0x1] =	stream.indirect.gather [spmem:s1], $0x80, s20, s9, $0xb8;
	[tilespmem:$0x1A0A0] =	vst v63  }
0xc0: {  	_ =	swait.ge [sflag:s8], $0xC800  }
0xc1: {  	[sflag:s8] =	ssyncset.done $0x0  }
0xc2: {  	s24 =	rddreg [dreg:$0xe];
	[sflag:s8] =	ssyncadd.s32 $0xFFFF3800  }
0xc3: {  	[hbm4b:s24+s2] =	stream.linear.scatter [tilespmem:s6], [sflag:$0x2], $0xC800, $0x38;
	[tilespmem:$0x1A0A0] =	vst v63  }
0xc4: {  	_ = 	snop  }
0xc5: {  	[tilespmem:s12], [sflag:$0x1] =	stream.indirect.gather [spmem:s1], $0x80, s18, s9, $0xb8;
	[tilespmem:$0x1A0A0] =	vst v63  }
0xc6: {  	_ =	swait.ge [sflag:s8], $0xC800  }
0xc7: {  	[sflag:s8] =	ssyncset.done $0x0  }
0xc8: {  	s24 =	rddreg [dreg:$0xf];
	[sflag:s8] =	ssyncadd.s32 $0xFFFF3800  }
0xc9: {  	[hbm4b:s24+s2] =	stream.linear.scatter [tilespmem:s12], [sflag:$0x3], $0xC800, $0x38;
	[tilespmem:$0x1A0A0] =	vst v63  }
0xca: {  	_ =	swait.ge [sflag:s11], $0xC800  }
0xcb: {  	[sflag:s11] =	ssyncset.done $0x0  }
0xcc: {  	[sflag:s11] =	ssyncadd.s32 $0xFFFF3800  }
0xcd: {  	[tilespmem:s6], [sflag:$0x1] =	stream.indirect.gather [spmem:s1], $0x80, s17, s9, $0xb8;
	[tilespmem:$0x1A0A0] =	vst v63  }
0xce: {  	_ =	swait.ge [sflag:s8], $0xC800  }
0xcf: {  	[sflag:s8] =	ssyncset.done $0x0  }
0xd0: {  	s24 =	rddreg [dreg:$0x10];
	[sflag:s8] =	ssyncadd.s32 $0xFFFF3800  }
0xd1: {  	[hbm4b:s24+s2] =	stream.linear.scatter [tilespmem:s6], [sflag:$0x2], $0xC800, $0x38;
	[tilespmem:$0x1A0A0] =	vst v63  }
0xd2: {  	_ =	swait.ge [sflag:s14], $0xC800  }
0xd3: {  	[sflag:s14] =	ssyncset.done $0x0  }
0xd4: {  	[sflag:s14] =	ssyncadd.s32 $0xFFFF3800  }
0xd5: {  	[tilespmem:s12], [sflag:$0x1] =	stream.indirect.gather [spmem:s1], $0x80, s16, s9, $0xb8;
	[tilespmem:$0x1A0A0] =	vst v63  }
0xd6: {  	_ =	swait.ge [sflag:s8], $0xC800  }
0xd7: {  	[sflag:s8] =	ssyncset.done $0x0  }
0xd8: {  	s24 =	rddreg [dreg:$0x11];
	[sflag:s8] =	ssyncadd.s32 $0xFFFF3800  }
0xd9: {  	[hbm4b:s24+s2] =	stream.linear.scatter [tilespmem:s12], [sflag:$0x3], $0xC800, $0x38;
	[tilespmem:$0x1A0A0] =	vst v63  }
0xda: {  	_ =	swait.ge [sflag:s11], $0xC800  }
0xdb: {  	[sflag:s11] =	ssyncset.done $0x0  }
0xdc: {  	[sflag:s11] =	ssyncadd.s32 $0xFFFF3800  }
0xdd: {  	[tilespmem:s6], [sflag:$0x1] =	stream.indirect.gather [spmem:s1], $0x80, s15, s9, $0xb8;
	[tilespmem:$0x1A0A0] =	vst v63  }
0xde: {  	_ =	swait.ge [sflag:s8], $0xC800  }
0xdf: {  	[sflag:s8] =	ssyncset.done $0x0  }
0xe0: {  	s24 =	rddreg [dreg:$0x12];
	[sflag:s8] =	ssyncadd.s32 $0xFFFF3800  }
0xe1: {  	[hbm4b:s24+s2] =	stream.linear.scatter [tilespmem:s6], [sflag:$0x2], $0xC800, $0x38;
	[tilespmem:$0x1A0A0] =	vst v63  }
0xe2: {  	_ =	swait.ge [sflag:s14], $0xC800  }
0xe3: {  	[sflag:s14] =	ssyncset.done $0x0  }
0xe4: {  	[sflag:s14] =	ssyncadd.s32 $0xFFFF3800  }
0xe5: {  	[tilespmem:s12], [sflag:$0x1] =	stream.indirect.gather [spmem:s1], $0x80, s13, s9, $0xb8;
	[tilespmem:$0x1A0A0] =	vst v63  }
0xe6: {  	_ =	swait.ge [sflag:s8], $0xC800  }
0xe7: {  	[sflag:s8] =	ssyncset.done $0x0  }
0xe8: {  	[sflag:s8] =	ssyncadd.s32 $0xFFFF3800  }
0xe9: {  	[hbm4b:s7+s2] =	stream.linear.scatter [tilespmem:s12], [sflag:$0x3], $0xC800, $0x38;
	[tilespmem:$0x1A0A0] =	vst v63  }
0xea: {  	_ =	swait.ge [sflag:s11], $0xC800  }
0xeb: {  	[sflag:s11] =	ssyncset.done $0x0  }
0xec: {  	[sflag:s11] =	ssyncadd.s32 $0xFFFF3800  }
0xed: {  	[tilespmem:s6], [sflag:$0x1] =	stream.indirect.gather [spmem:s1], $0x80, s10, s9, $0xb8;
	[tilespmem:$0x1A0A0] =	vst v63  }
0xee: {  	_ =	swait.ge [sflag:s8], $0xC800  }
0xef: {  	[sflag:s8] =	ssyncset.done $0x0  }
0xf0: {  	[sflag:s8] =	ssyncadd.s32 $0xFFFF3800  }
0xf1: {  	[hbm4b:s5+s2] =	stream.linear.scatter [tilespmem:s6], [sflag:$0x2], $0xC800, $0x38;
	[tilespmem:$0x1A0A0] =	vst v63  }
0xf2: {  	_ =	swait.ge @!p1 [sflag:s26], $0xC800  }
0xf3: {  	[sflag:s26] =	ssyncset.done @!p1 $0x0  }
0xf4: {  	s24 =	simm.s32 @!p1 $0x190;
	[sflag:s26] =	ssyncadd.s32 @!p1 $0xFFFF3800  }
0xf5: {  	[tilespmem:s30], [sflag:$0x1] =	stream.indirect.gather @!p1 [spmem:s1], $0x80, s23, s24, $0xb8;
	[tilespmem:$0x1A0A0] =	vst v63  }
0xf6: {  	_ =	swait.ge @!p1 [sflag:s28], $0xC800  }
0xf7: {  	s21 =	sadd.s32 $0xFFFFFFFF, s21;
	[sflag:s28] =	ssyncset.done @!p1 $0x0  }
0xf8: {  	p3 =	sne.s32 s21, $0x0;
	[sflag:s28] =	ssyncadd.s32 @!p1 $0xFFFF3800  }
0xf9: {  	[hbm4b:s4+s29] =	stream.linear.scatter @!p1 [tilespmem:s30], [sflag:$0x3], $0xC800, $0x38;
	[tilespmem:$0x1A0A0] =	vst v63  }
.Ltmp2:
0xfa: {  	_ =	swait.ge @!p1 [sflag:s0], $0xC800;
	(pc) =	sbr.rel @p3 .LBB2_4-.Ltmp2, $4  }
0xfb: {  	[sflag:s0] =	ssyncset.done @!p1 $0x0  }
0xfc: {  	[sflag:s0] =	ssyncadd.s32 @!p1 $0xFFFF3800  }
0xfd: {  	_ =	swait.ge [sflag:s31], $0xC800  }
0xfe: {  	s3 =	smov.u32 s4;
	s29 =	rddreg [dreg:$0x5];
	[sflag:s31] =	ssyncset.done $0x0  }
0xff: {  	s22 =	rddreg [dreg:$0x4];
	s10 =	simm.s32 $0x19CA0;
	s13 =	simm.s32 $0x19AA0  }
0x100: {  	s15 =	simm.s32 $0x198A0;
	s16 =	simm.s32 $0x196A0;
	s17 =	simm.s32 $0x194A0  }
0x101: {  	s18 =	simm.s32 $0x192A0;
	s26 =	simm.s32 $0x190A0;
	s20 =	rddreg [dreg:$0x13]  }
.LBB2_6:
0x102: {  	[sflag:s31] =	ssyncadd.s32 @p2 $0xFFFF3800;
	s0 =	simm.s32 @!p0 $0x1C05;
	s3 =	simm.s32 @!p0 $0x5  }
0x103: {  	[spmem:s20], [sflag:s0] =	dma.local @!p0 [hbm:s29], $0x140  }
0x104: {  	_ =	swait.ge @!p0 [sflag:s3], $0x140  }
0x105: {  	[sflag:s3] =	ssyncset.done @!p0 $0x0  }
0x106: {  	[sflag:s3] =	ssyncadd.s32 @!p0 $0xFFFFFEC0  }
0x107: {  	[bflag:$0x0] =	sbarrier.arrive $0xFFFF  }
0x108: {  	s30 =	rddreg [dreg:$0x6]  }
0x109: {  	[tilespmem:s26], [sflag:$0x4] =	stream.linear.gather [hbm4b:s30+s2], $0x190, $0x38;
	[tilespmem:$0x1A0A0] =	vst v63  }
0x10a: {  	s31 =	rddreg [dreg:$0x7]  }
0x10b: {  	[tilespmem:s18], [sflag:$0x4] =	stream.linear.gather [hbm4b:s31+s2], $0x190, $0x38;
	[tilespmem:$0x1A0A0] =	vst v63  }
0x10c: {  	s20 =	rddreg [dreg:$0x8]  }
0x10d: {  	[tilespmem:s17], [sflag:$0x4] =	stream.linear.gather [hbm4b:s20+s2], $0x190, $0x38;
	[tilespmem:$0x1A0A0] =	vst v63  }
0x10e: {  	s21 =	rddreg [dreg:$0x9]  }
0x10f: {  	[tilespmem:s16], [sflag:$0x4] =	stream.linear.gather [hbm4b:s21+s2], $0x190, $0x38;
	[tilespmem:$0x1A0A0] =	vst v63  }
0x110: {  	s23 =	rddreg [dreg:$0xa]  }
0x111: {  	[tilespmem:s15], [sflag:$0x4] =	stream.linear.gather [hbm4b:s23+s2], $0x190, $0x38;
	[tilespmem:$0x1A0A0] =	vst v63  }
0x112: {  	s24 =	rddreg [dreg:$0xb]  }
0x113: {  	[tilespmem:s13], [sflag:$0x4] =	stream.linear.gather [hbm4b:s24+s2], $0x190, $0x38;
	[tilespmem:$0x1A0A0] =	vst v63  }
0x114: {  	s25 =	rddreg [dreg:$0xc]  }
0x115: {  	[tilespmem:s10], [sflag:$0x4] =	stream.linear.gather [hbm4b:s25+s2], $0x190, $0x38;
	[tilespmem:$0x1A0A0] =	vst v63  }
0x116: {  	s0 =	simm.s32 @!p1 $0x0;
	s3 =	rddreg [dreg:$0xd];
	s20 =	simm.s32 @!p1 $0x19EA0  }
0x117: {  	[tilespmem:s20], [sflag:$0x4] =	stream.linear.gather @!p1 [hbm4b:s3+s0], $0x190, $0x38;
	[tilespmem:$0x1A0A0] =	vst v63  }
0x118: {  	_ =	swait.ge [sflag:s19], $0x190  }
0x119: {  	[sflag:s19] =	ssyncset.done $0x0  }
0x11a: {  	[sflag:s19] =	ssyncadd.s32 $0xFFFFFE70  }
0x11b: {  	_ =	swait.ge [sflag:s19], $0x190  }
0x11c: {  	[sflag:s19] =	ssyncset.done $0x0  }
0x11d: {  	[sflag:s19] =	ssyncadd.s32 $0xFFFFFE70  }
0x11e: {  	_ =	swait.ge [sflag:s19], $0x190  }
0x11f: {  	[sflag:s19] =	ssyncset.done $0x0  }
0x120: {  	[sflag:s19] =	ssyncadd.s32 $0xFFFFFE70  }
0x121: {  	_ =	swait.ge [sflag:s19], $0x190  }
0x122: {  	[sflag:s19] =	ssyncset.done $0x0  }
0x123: {  	[sflag:s19] =	ssyncadd.s32 $0xFFFFFE70  }
0x124: {  	_ =	swait.ge [sflag:s19], $0x190  }
0x125: {  	[sflag:s19] =	ssyncset.done $0x0  }
0x126: {  	[sflag:s19] =	ssyncadd.s32 $0xFFFFFE70  }
0x127: {  	_ =	swait.ge [sflag:s19], $0x190  }
0x128: {  	[sflag:s19] =	ssyncset.done $0x0  }
0x129: {  	[sflag:s19] =	ssyncadd.s32 $0xFFFFFE70  }
0x12a: {  	_ =	swait.ge [sflag:s19], $0x190  }
0x12b: {  	[sflag:s19] =	ssyncset.done $0x0  }
0x12c: {  	s3 =	simm.s32 @!p1 $0x4;
	[sflag:s19] =	ssyncadd.s32 $0xFFFFFE70  }
0x12d: {  	_ =	swait.ge @!p1 [sflag:s3], $0x190  }
0x12e: {  	[sflag:s3] =	ssyncset.done @!p1 $0x0  }
0x12f: {  	[sflag:s3] =	ssyncadd.s32 @!p1 $0xFFFFFE70  }
0x130: {  	[tilespmem:s6], [sflag:$0x1] =	stream.indirect.gather [spmem:s1], $0x80, s26, s9, $0xb8;
	[tilespmem:$0x1A0A0] =	vst v63  }
0x131: {  	_ =	swait.ge [sflag:s8], $0xC800  }
0x132: {  	[sflag:s8] =	ssyncset.done $0x0  }
0x133: {  	s26 =	rddreg [dreg:$0xe];
	[sflag:s8] =	ssyncadd.s32 $0xFFFF3800  }
0x134: {  	[hbm4b:s26+s2] =	stream.linear.scatter [tilespmem:s6], [sflag:$0x2], $0xC800, $0x38;
	[tilespmem:$0x1A0A0] =	vst v63  }
0x135: {  	_ = 	snop  }
0x136: {  	[tilespmem:s12], [sflag:$0x1] =	stream.indirect.gather [spmem:s1], $0x80, s18, s9, $0xb8;
	[tilespmem:$0x1A0A0] =	vst v63  }
0x137: {  	_ =	swait.ge [sflag:s8], $0xC800  }
0x138: {  	[sflag:s8] =	ssyncset.done $0x0  }
0x139: {  	s28 =	rddreg [dreg:$0xf];
	[sflag:s8] =	ssyncadd.s32 $0xFFFF3800  }
0x13a: {  	[hbm4b:s28+s2] =	stream.linear.scatter [tilespmem:s12], [sflag:$0x3], $0xC800, $0x38;
	[tilespmem:$0x1A0A0] =	vst v63  }
0x13b: {  	_ =	swait.ge [sflag:s11], $0xC800  }
0x13c: {  	[sflag:s11] =	ssyncset.done $0x0  }
0x13d: {  	[sflag:s11] =	ssyncadd.s32 $0xFFFF3800  }
0x13e: {  	[tilespmem:s6], [sflag:$0x1] =	stream.indirect.gather [spmem:s1], $0x80, s17, s9, $0xb8;
	[tilespmem:$0x1A0A0] =	vst v63  }
0x13f: {  	_ =	swait.ge [sflag:s8], $0xC800  }
0x140: {  	[sflag:s8] =	ssyncset.done $0x0  }
0x141: {  	s29 =	rddreg [dreg:$0x10];
	[sflag:s8] =	ssyncadd.s32 $0xFFFF3800  }
0x142: {  	[hbm4b:s29+s2] =	stream.linear.scatter [tilespmem:s6], [sflag:$0x2], $0xC800, $0x38;
	[tilespmem:$0x1A0A0] =	vst v63  }
0x143: {  	_ =	swait.ge [sflag:s14], $0xC800  }
0x144: {  	[sflag:s14] =	ssyncset.done $0x0  }
0x145: {  	[sflag:s14] =	ssyncadd.s32 $0xFFFF3800  }
0x146: {  	[tilespmem:s12], [sflag:$0x1] =	stream.indirect.gather [spmem:s1], $0x80, s16, s9, $0xb8;
	[tilespmem:$0x1A0A0] =	vst v63  }
0x147: {  	_ =	swait.ge [sflag:s8], $0xC800  }
0x148: {  	[sflag:s8] =	ssyncset.done $0x0  }
0x149: {  	s30 =	rddreg [dreg:$0x11];
	[sflag:s8] =	ssyncadd.s32 $0xFFFF3800  }
0x14a: {  	[hbm4b:s30+s2] =	stream.linear.scatter [tilespmem:s12], [sflag:$0x3], $0xC800, $0x38;
	[tilespmem:$0x1A0A0] =	vst v63  }
0x14b: {  	_ =	swait.ge [sflag:s11], $0xC800  }
0x14c: {  	[sflag:s11] =	ssyncset.done $0x0  }
0x14d: {  	[sflag:s11] =	ssyncadd.s32 $0xFFFF3800  }
0x14e: {  	[tilespmem:s6], [sflag:$0x1] =	stream.indirect.gather [spmem:s1], $0x80, s15, s9, $0xb8;
	[tilespmem:$0x1A0A0] =	vst v63  }
0x14f: {  	_ =	swait.ge [sflag:s8], $0xC800  }
0x150: {  	[sflag:s8] =	ssyncset.done $0x0  }
0x151: {  	s31 =	rddreg [dreg:$0x12];
	[sflag:s8] =	ssyncadd.s32 $0xFFFF3800  }
0x152: {  	[hbm4b:s31+s2] =	stream.linear.scatter [tilespmem:s6], [sflag:$0x2], $0xC800, $0x38;
	[tilespmem:$0x1A0A0] =	vst v63  }
0x153: {  	_ =	swait.ge [sflag:s14], $0xC800  }
0x154: {  	[sflag:s14] =	ssyncset.done $0x0  }
0x155: {  	[sflag:s14] =	ssyncadd.s32 $0xFFFF3800  }
0x156: {  	[tilespmem:s12], [sflag:$0x1] =	stream.indirect.gather [spmem:s1], $0x80, s13, s9, $0xb8;
	[tilespmem:$0x1A0A0] =	vst v63  }
0x157: {  	_ =	swait.ge [sflag:s8], $0xC800  }
0x158: {  	[sflag:s8] =	ssyncset.done $0x0  }
0x159: {  	[sflag:s8] =	ssyncadd.s32 $0xFFFF3800  }
0x15a: {  	[hbm4b:s7+s2] =	stream.linear.scatter [tilespmem:s12], [sflag:$0x3], $0xC800, $0x38;
	[tilespmem:$0x1A0A0] =	vst v63  }
0x15b: {  	_ =	swait.ge [sflag:s11], $0xC800  }
0x15c: {  	[sflag:s11] =	ssyncset.done $0x0  }
0x15d: {  	[sflag:s11] =	ssyncadd.s32 $0xFFFF3800  }
0x15e: {  	[tilespmem:s6], [sflag:$0x1] =	stream.indirect.gather [spmem:s1], $0x80, s10, s9, $0xb8;
	[tilespmem:$0x1A0A0] =	vst v63  }
0x15f: {  	_ =	swait.ge [sflag:s8], $0xC800  }
0x160: {  	[sflag:s8] =	ssyncset.done $0x0  }
0x161: {  	s3 =	simm.s32 @!p1 $0x3;
	[sflag:s8] =	ssyncadd.s32 $0xFFFF3800  }
0x162: {  	[hbm4b:s5+s2] =	stream.linear.scatter [tilespmem:s6], [sflag:$0x2], $0xC800, $0x38;
	[tilespmem:$0x1A0A0] =	vst v63  }
0x163: {  	_ =	swait.ge @!p1 [sflag:s3], $0xC800  }
0x164: {  	s2 =	simm.s32 @!p1 $0x1;
	[sflag:s3] =	ssyncset.done @!p1 $0x0  }
0x165: {  	s6 =	simm.s32 @!p1 $0x190;
	s5 =	simm.s32 @!p1 $0xC8A0;
	[sflag:s3] =	ssyncadd.s32 @!p1 $0xFFFF3800  }
0x166: {  	[tilespmem:s5], [sflag:$0x1] =	stream.indirect.gather @!p1 [spmem:s1], $0x80, s20, s6, $0xb8;
	[tilespmem:$0x1A0A0] =	vst v63  }
0x167: {  	_ =	swait.ge @!p1 [sflag:s2], $0xC800  }
0x168: {  	[sflag:s2] =	ssyncset.done @!p1 $0x0  }
0x169: {  	s1 =	simm.s32 @!p1 $0x2;
	[sflag:s2] =	ssyncadd.s32 @!p1 $0xFFFF3800  }
0x16a: {  	[hbm4b:s4+s0] =	stream.linear.scatter @!p1 [tilespmem:s5], [sflag:$0x3], $0xC800, $0x38;
	[tilespmem:$0x1A0A0] =	vst v63  }
0x16b: {  	_ =	swait.ge @!p1 [sflag:s1], $0xC800  }
0x16c: {  	[sflag:s1] =	ssyncset.done @!p1 $0x0  }
0x16d: {  	s3 =	simm.s32 @p1 $0x2;
	[sflag:s1] =	ssyncadd.s32 @!p1 $0xFFFF3800  }
0x16e: {  	_ =	swait.ge [sflag:s3], $0xC800  }
0x16f: {  	[sflag:s3] =	ssyncset.done $0x0  }
0x170: {  	[sflag:s3] =	ssyncadd.s32 $0xFFFF3800  }
0x171: {  	_ =	sfence.sel $0x180000  }
0x172: {  	[bflag:$0x0] =	sbarrier.arrive $0xFFFF  }
0x173: {  	_ =	strace $0x90000047  }
0x174: {  	s0 =	sadd.s32 @!p0 $0x100000, s22;
	[bflag:$0x2] =	sbarrier.arrive $0xFFFF  }
0x175: {  	[sflag:s0] =	ssyncadd.tile.s32 @!p0 $0x1;
	_ =	shalt  }
.LBB2_1:
.Ltmp3:
0x176: {  	(pc) =	sbr.rel .LBB2_6-.Ltmp3, $2  }
0x177: {  	_ =	sdelay $0x2  }
0x178: {  	s4 =	smov.u32 s3  }
.LBB2_3:
.Ltmp4:
0x179: {  	(pc) =	sbr.rel .LBB2_6-.Ltmp4, $4  }
0x17a: {  	s4 =	smov.u32 s3  }
0x17b: {  	s22 =	rddreg [dreg:$0x4];
	s10 =	simm.s32 $0x19CA0;
	s13 =	simm.s32 $0x19AA0  }
0x17c: {  	s15 =	simm.s32 $0x198A0;
	s16 =	simm.s32 $0x196A0;
	s17 =	simm.s32 $0x194A0  }
0x17d: {  	s18 =	simm.s32 $0x192A0;
	s26 =	simm.s32 $0x190A0;
	s20 =	rddreg [dreg:$0x13]  }
.Lfunc_end2:
_tile_overlayer_lowered:
.L_overlay_start_2:
0x17e: {  	(tag) =	ssettag $0x2  }
0x17f: {  	s0 =	rddreg [dreg:$0x0];
	s2 =	stileid.u32  }
0x180: {  	s1 =	rddreg [dreg:$0x1];
	p0 =	sne.s32 s2, $0x0  }
0x181: {  	s3 =	rddreg [dreg:$0x2];
	[bflag:$0x3] =	sbarrier.arrive $0xFFFF;
	s2 =	simm.s32 @!p0 $0x1C05  }
0x182: {  	[timem:s3], [sflag:s2] =	dma.local @!p0 [hbm:s0], s1  }
0x183: {  	s0 =	simm.s32 @!p0 $0x5  }
0x184: {  	_ =	swait.ge @!p0 [sflag:s0], s1  }
0x185: {  	s1 =	ssub.s32 @!p0 $0x0, s1;
	[sflag:s0] =	ssyncset.done @!p0 $0x0  }
0x186: {  	[sflag:s0] =	ssyncadd.s32 @!p0 s1  }
0x187: {  	[bflag:$0x3] =	sbarrier.arrive $0xFFFF  }
0x188: {  	_ =	shalt  }

</sc_bundles>
